<compile_context>
chip_gen: v7x
topology: tpu7x:2x2x1
jax: 0.10.2.dev20260603
libtpu: 0.0.44.dev20260713+nightly
codegen_flags: <defaults>
</compile_context>

<pallas_src>
import jax
import jax.numpy as jnp
from jax import lax
from jax.experimental import pallas as pl
from jax.experimental.pallas import tpu as pltpu
from jax.experimental.pallas import tpu_sc as plsc

B = 16384
CTX = 20
D = 64
V = 1000000
PH = 500224
PD = 2 * D
NC = 2
NS = 16
NW = NC * NS
CB = 256
TGT_CHUNKS = B // (NW * CB)
CTX_CHUNKS = (B * CTX) // (NW * CB)
BB = 256
NB = B // BB
CBLK = 512
NTB = PH // CBLK


def _relayout_body(in_a, in_b, out_a, out_b, in_p_ref, out_p_ref):
    for lo, hi, dst in ((in_a, in_b, in_p_ref), (out_a, out_b, out_p_ref)):
        dst[...] = jnp.concatenate(
            [jnp.swapaxes(lo[...], 0, 1), jnp.swapaxes(hi[...], 0, 1)],
            axis=1)


def _sc_body(idx_hbm, in_tab_hbm, out_tab_hbm, out_hbm, idx_v, rows_v, sem):
    wid = lax.axis_index("s") * NC + lax.axis_index("c")

    @pl.loop(0, TGT_CHUNKS)
    def _tgt(j):
        base = (wid * TGT_CHUNKS + j) * CB
        pltpu.sync_copy(idx_hbm.at[pl.ds(base, CB)], idx_v)
        pltpu.async_copy(in_tab_hbm.at[idx_v], rows_v, sem).wait()
        pltpu.sync_copy(rows_v, out_hbm.at[pl.ds(base, CB)])

    @pl.loop(0, CTX_CHUNKS)
    def _ctx(j):
        base = (wid * CTX_CHUNKS + j) * CB
        pltpu.sync_copy(idx_hbm.at[pl.ds(B + base, CB)], idx_v)
        pltpu.async_copy(out_tab_hbm.at[idx_v], rows_v, sem).wait()
        pltpu.sync_copy(rows_v, out_hbm.at[pl.ds(B + base, CB)])


def _tc_body(rows_ref, half_ref, o_ref):
    i = pl.program_id(0)

    def half(s):
        x = rows_ref[s]
        h = half_ref[:, s:s + 1]
        return jnp.where(h == 1, x[:, D:PD], x[:, 0:D])

    tgt = half(0)
    svs = [jnp.sum(tgt * half(1 + w), axis=1, keepdims=True)
           for w in range(CTX)]
    m = svs[0]
    for s in svs[1:]:
        m = jnp.maximum(m, s)
    z = jnp.exp(svs[0] - m)
    for s in svs[1:]:
        z = z + jnp.exp(s - m)
    part = m + jnp.log(z) - svs[1]

    @pl.when(i == 0)
    def _():
        o_ref[0, 0] = 0.0

    o_ref[0, 0] += jnp.sum(part) * (1.0 / B)


@jax.jit
def kernel(target, context, in_embed, out_embed):
    tgt_idx = target.astype(jnp.int32)
    ctx_idx = context.astype(jnp.int32).T.reshape(-1)
    cat_idx = jnp.concatenate([tgt_idx, ctx_idx])
    phys_idx = jnp.where(cat_idx >= PH, cat_idx - PH, cat_idx)
    hlf = (cat_idx >= PH).astype(jnp.int32).reshape(CTX + 1, B).T

    in_pack, out_pack = pl.pallas_call(
        _relayout_body,
        grid=(NTB,),
        in_specs=[
            pl.BlockSpec((D, CBLK), lambda i: (0, i)),
            pl.BlockSpec((D, CBLK), lambda i: (0, i + NTB)),
            pl.BlockSpec((D, CBLK), lambda i: (0, i)),
            pl.BlockSpec((D, CBLK), lambda i: (0, i + NTB)),
        ],
        out_specs=[
            pl.BlockSpec((CBLK, PD), lambda i: (i, 0)),
            pl.BlockSpec((CBLK, PD), lambda i: (i, 0)),
        ],
        out_shape=[
            jax.ShapeDtypeStruct((PH, PD), jnp.float32),
            jax.ShapeDtypeStruct((PH, PD), jnp.float32),
        ],
    )(in_embed.T, in_embed.T, out_embed.T, out_embed.T)

    mesh = plsc.VectorSubcoreMesh(core_axis_name="c", subcore_axis_name="s")
    rows = pl.kernel(
        _sc_body,
        out_type=jax.ShapeDtypeStruct((B * (CTX + 1), PD), jnp.float32),
        mesh=mesh,
        compiler_params=pltpu.CompilerParams(
            needs_layout_passes=False, use_tc_tiling_on_sc=False),
        scratch_types=[
            pltpu.VMEM((CB,), jnp.int32),
            pltpu.VMEM((CB, PD), jnp.float32),
            pltpu.SemaphoreType.DMA,
        ],
    )(phys_idx, in_pack, out_pack)

    loss = pl.pallas_call(
        _tc_body,
        grid=(NB,),
        in_specs=[
            pl.BlockSpec((CTX + 1, BB, PD), lambda i: (0, i, 0)),
            pl.BlockSpec((BB, CTX + 1), lambda i: (i, 0)),
        ],
        out_specs=pl.BlockSpec((1, 1), lambda i: (0, 0),
                               memory_space=pltpu.SMEM),
        out_shape=jax.ShapeDtypeStruct((1, 1), jnp.float32),
    )(rows.reshape(CTX + 1, B, PD), hlf)
    return loss[0, 0]

# --- scband reference (transcript-rebuilt; emitter-appended) ---
"""Pipeline reference for scband-skipgram-model-28295244546226 (READ-ONLY COPY).

The authoritative reference and input builder live on the scoring server;
editing this copy changes nothing except your own understanding.
"""

import jax, jax.numpy as jnp
import numpy as np

VOCAB = 1000000
EMBED = 64
BATCH = 16384
CTX = 20

def setup_inputs(seed: int = 0) -> dict:
    key = jax.random.key(seed)
    k1, k2, k3, k4 = jax.random.split(key, 4)
    target = jax.random.randint(k1, (BATCH,), 0, VOCAB, dtype=jnp.int64 if jax.config.jax_enable_x64 else jnp.int32)
    context = jax.random.randint(k2, (BATCH, CTX), 0, VOCAB, dtype=jnp.int64 if jax.config.jax_enable_x64 else jnp.int32)
    in_embed = jax.random.uniform(k3, (VOCAB, EMBED), dtype=jnp.float32, minval=-1.0, maxval=1.0)
    out_embed = jax.random.uniform(k4, (VOCAB, EMBED), dtype=jnp.float32, minval=-1.0, maxval=1.0)
    return {"target": target, "context": context, "in_embed": in_embed, "out_embed": out_embed}

def reference(target, context, in_embed, out_embed):
    # target_embeds = self.in_embed(target)  -> (B, D)
    target_embeds = jnp.take(in_embed, target, axis=0)
    # context_embeds = self.out_embed(context) -> (B, W, D)
    context_embeds = jnp.take(out_embed, context, axis=0)
    # scores = bmm(context_embeds, target_embeds.unsqueeze(2)).squeeze(2) -> (B, W)
    scores = jnp.einsum('bwd,bd->bw', context_embeds, target_embeds)
    # CrossEntropyLoss with labels = ones (class index 1), mean reduction
    logz = jax.nn.logsumexp(scores, axis=1)
    loss = jnp.mean(logz - scores[:, 1])
    return loss

if __name__ == "__main__":
    import jax
    _d = setup_inputs()
    print(jax.jit(kernel)(*tuple(_d.values())))

</pallas_src>

<mosaic_0001>
#map = affine_map<(d0, d1) -> (0)>
#map1 = affine_map<(d0, d1) -> (0, 0)>
module attributes {stable_mosaic.version = 14 : i64} {
  func.func @_sc_body(%arg0: i32, %arg1: i32, %arg2: memref<344064xi32, #tpu.memory_space<hbm>>, %arg3: memref<500224x128xf32, #tpu.memory_space<hbm>>, %arg4: memref<500224x128xf32, #tpu.memory_space<hbm>>, %arg5: memref<344064x128xf32, #tpu.memory_space<hbm>>, %arg6: memref<256xi32, #tpu.memory_space<vmem>>, %arg7: memref<256x128xf32, #tpu.memory_space<vmem>>, %arg8: memref<!tpu.dma_semaphore, #tpu.memory_space<semaphore_mem>>) attributes {dimension_semantics = [#tpu.dimension_semantics<core_parallel>, #tpu.dimension_semantics<subcore_parallel>], iteration_bounds = array<i64: 2, 16>, scalar_prefetch = 0 : i64, scratch_operands = 3 : i64, tpu.core_type = #tpu.core_type<sc_vector_subcore>, window_params = [{transform_indices = #map}, {transform_indices = #map1}, {transform_indices = #map1}, {transform_indices = #map1}]} {
    %mul3A = arith.constant 2 : i32
    %mul3A_0 = arith.muli %arg1, %mul3A : i32
    %add3A = arith.addi %mul3A_0, %arg0 : i32
    %scan3A = arith.constant 0 : i32
    %scan3A_1 = arith.constant 2 : i32
    %scan3A_2 = arith.addi %scan3A, %scan3A_1 : i32
    %scan3A_3 = arith.constant 1 : i32
    scf.for %scan3A_10 = %scan3A to %scan3A_2 step %scan3A_3  : i32 {
      %mul3A_11 = arith.constant 1 : i32
      %mul3A_12 = arith.muli %scan3A_10, %mul3A_11 : i32
      %add3A_13 = arith.constant 0 : i32
      %add3A_14 = arith.addi %add3A_13, %mul3A_12 : i32
      %mul3A_15 = arith.constant 2 : i32
      %mul3A_16 = arith.muli %add3A, %mul3A_15 : i32
      %add3A_17 = arith.addi %mul3A_16, %add3A_14 : i32
      %mul3A_18 = arith.constant 256 : i32
      %mul3A_19 = arith.muli %add3A_17, %mul3A_18 : i32
      "tpu.region"() ({
        %run_scoped3A = tpu.sem_alloc : memref<!tpu.dma_semaphore, #tpu.memory_space<semaphore_mem>>
        %dma_start3A_24 = tpu.memref_slice %arg2[%mul3A_19] : memref<344064xi32, #tpu.memory_space<hbm>> -> memref<256xi32, #tpu.memory_space<hbm>>
        %dma_start3A_25 = tpu.memref_slice %arg2[%mul3A_19] : memref<344064xi32, #tpu.memory_space<hbm>> -> memref<256xi32, #tpu.memory_space<hbm>>
        tpu.enqueue_dma source(%dma_start3A_25 : memref<256xi32, #tpu.memory_space<hbm>>) target(%arg6 : memref<256xi32, #tpu.memory_space<vmem>>) target_semaphore(%run_scoped3A : memref<!tpu.dma_semaphore, #tpu.memory_space<semaphore_mem>>)
        %dma_wait3A_26 = tpu.memref_slice %arg2[%mul3A_19] : memref<344064xi32, #tpu.memory_space<hbm>> -> memref<256xi32, #tpu.memory_space<hbm>>
        %dma_wait3A_27 = tpu.memref_slice %arg2[%mul3A_19] : memref<344064xi32, #tpu.memory_space<hbm>> -> memref<256xi32, #tpu.memory_space<hbm>>
        tpu.wait_dma2 semaphore(%run_scoped3A : memref<!tpu.dma_semaphore, #tpu.memory_space<semaphore_mem>>) src(%dma_wait3A_27 : memref<256xi32, #tpu.memory_space<hbm>>) dst(%arg6 : memref<256xi32, #tpu.memory_space<vmem>>)
        tpu.yield
      }) : () -> ()
      %dma_start3A = arith.constant 0 : i32
      %dma_start3A_20 = arith.constant 0 : i32
      %dma_start3A_21 = tpu.memref_slice %arg3[%dma_start3A, %dma_start3A_20] : memref<500224x128xf32, #tpu.memory_space<hbm>> -> memref<500224x128xf32, #tpu.memory_space<hbm>>
      tpu.enqueue_indirect_dma source(%dma_start3A_21 : memref<500224x128xf32, #tpu.memory_space<hbm>>) target(%arg7 : memref<256x128xf32, #tpu.memory_space<vmem>>) offsets(%arg6 : memref<256xi32, #tpu.memory_space<vmem>>) semaphore(%arg8 : memref<!tpu.dma_semaphore, #tpu.memory_space<semaphore_mem>>)
      %dma_wait3A = arith.constant 0 : i32
      %dma_wait3A_22 = arith.constant 0 : i32
      %dma_wait3A_23 = tpu.memref_slice %arg3[%dma_wait3A, %dma_wait3A_22] : memref<500224x128xf32, #tpu.memory_space<hbm>> -> memref<500224x128xf32, #tpu.memory_space<hbm>>
      tpu.wait_indirect_dma semaphore(%arg8 : memref<!tpu.dma_semaphore, #tpu.memory_space<semaphore_mem>>) src(%dma_wait3A_23 : memref<500224x128xf32, #tpu.memory_space<hbm>>) dst(%arg7 : memref<256x128xf32, #tpu.memory_space<vmem>>)
      "tpu.region"() ({
        %run_scoped3A = tpu.sem_alloc : memref<!tpu.dma_semaphore, #tpu.memory_space<semaphore_mem>>
        %dma_start3A_24 = arith.constant 0 : i32
        %dma_start3A_25 = tpu.memref_slice %arg5[%mul3A_19, %dma_start3A_24] : memref<344064x128xf32, #tpu.memory_space<hbm>> -> memref<256x128xf32, #tpu.memory_space<hbm>>
        %dma_start3A_26 = arith.constant 0 : i32
        %dma_start3A_27 = tpu.memref_slice %arg5[%mul3A_19, %dma_start3A_26] : memref<344064x128xf32, #tpu.memory_space<hbm>> -> memref<256x128xf32, #tpu.memory_space<hbm>>
        tpu.enqueue_dma source(%arg7 : memref<256x128xf32, #tpu.memory_space<vmem>>) target(%dma_start3A_27 : memref<256x128xf32, #tpu.memory_space<hbm>>) target_semaphore(%run_scoped3A : memref<!tpu.dma_semaphore, #tpu.memory_space<semaphore_mem>>)
        %dma_wait3A_28 = arith.constant 0 : i32
        %dma_wait3A_29 = tpu.memref_slice %arg5[%mul3A_19, %dma_wait3A_28] : memref<344064x128xf32, #tpu.memory_space<hbm>> -> memref<256x128xf32, #tpu.memory_space<hbm>>
        %dma_wait3A_30 = arith.constant 0 : i32
        %dma_wait3A_31 = tpu.memref_slice %arg5[%mul3A_19, %dma_wait3A_30] : memref<344064x128xf32, #tpu.memory_space<hbm>> -> memref<256x128xf32, #tpu.memory_space<hbm>>
        tpu.wait_dma2 semaphore(%run_scoped3A : memref<!tpu.dma_semaphore, #tpu.memory_space<semaphore_mem>>) src(%arg7 : memref<256x128xf32, #tpu.memory_space<vmem>>) dst(%dma_wait3A_31 : memref<256x128xf32, #tpu.memory_space<hbm>>)
        tpu.yield
      }) : () -> ()
    }
    %scan3A_4 = arith.constant 2 : i32
    %scan3A_5 = arith.constant 0 : i32
    %scan3A_6 = arith.constant 40 : i32
    %scan3A_7 = arith.addi %scan3A_5, %scan3A_6 : i32
    %scan3A_8 = arith.constant 1 : i32
    scf.for %scan3A_10 = %scan3A_5 to %scan3A_7 step %scan3A_8  : i32 {
      %mul3A_11 = arith.constant 1 : i32
      %mul3A_12 = arith.muli %scan3A_10, %mul3A_11 : i32
      %add3A_13 = arith.constant 0 : i32
      %add3A_14 = arith.addi %add3A_13, %mul3A_12 : i32
      %mul3A_15 = arith.constant 40 : i32
      %mul3A_16 = arith.muli %add3A, %mul3A_15 : i32
      %add3A_17 = arith.addi %mul3A_16, %add3A_14 : i32
      %mul3A_18 = arith.constant 256 : i32
      %mul3A_19 = arith.muli %add3A_17, %mul3A_18 : i32
      %add3A_20 = arith.constant 16384 : i32
      %add3A_21 = arith.addi %add3A_20, %mul3A_19 : i32
      "tpu.region"() ({
        %run_scoped3A = tpu.sem_alloc : memref<!tpu.dma_semaphore, #tpu.memory_space<semaphore_mem>>
        %dma_start3A_28 = tpu.memref_slice %arg2[%add3A_21] : memref<344064xi32, #tpu.memory_space<hbm>> -> memref<256xi32, #tpu.memory_space<hbm>>
        %dma_start3A_29 = tpu.memref_slice %arg2[%add3A_21] : memref<344064xi32, #tpu.memory_space<hbm>> -> memref<256xi32, #tpu.memory_space<hbm>>
        tpu.enqueue_dma source(%dma_start3A_29 : memref<256xi32, #tpu.memory_space<hbm>>) target(%arg6 : memref<256xi32, #tpu.memory_space<vmem>>) target_semaphore(%run_scoped3A : memref<!tpu.dma_semaphore, #tpu.memory_space<semaphore_mem>>)
        %dma_wait3A_30 = tpu.memref_slice %arg2[%add3A_21] : memref<344064xi32, #tpu.memory_space<hbm>> -> memref<256xi32, #tpu.memory_space<hbm>>
        %dma_wait3A_31 = tpu.memref_slice %arg2[%add3A_21] : memref<344064xi32, #tpu.memory_space<hbm>> -> memref<256xi32, #tpu.memory_space<hbm>>
        tpu.wait_dma2 semaphore(%run_scoped3A : memref<!tpu.dma_semaphore, #tpu.memory_space<semaphore_mem>>) src(%dma_wait3A_31 : memref<256xi32, #tpu.memory_space<hbm>>) dst(%arg6 : memref<256xi32, #tpu.memory_space<vmem>>)
        tpu.yield
      }) : () -> ()
      %dma_start3A = arith.constant 0 : i32
      %dma_start3A_22 = arith.constant 0 : i32
      %dma_start3A_23 = tpu.memref_slice %arg4[%dma_start3A, %dma_start3A_22] : memref<500224x128xf32, #tpu.memory_space<hbm>> -> memref<500224x128xf32, #tpu.memory_space<hbm>>
      tpu.enqueue_indirect_dma source(%dma_start3A_23 : memref<500224x128xf32, #tpu.memory_space<hbm>>) target(%arg7 : memref<256x128xf32, #tpu.memory_space<vmem>>) offsets(%arg6 : memref<256xi32, #tpu.memory_space<vmem>>) semaphore(%arg8 : memref<!tpu.dma_semaphore, #tpu.memory_space<semaphore_mem>>)
      %dma_wait3A = arith.constant 0 : i32
      %dma_wait3A_24 = arith.constant 0 : i32
      %dma_wait3A_25 = tpu.memref_slice %arg4[%dma_wait3A, %dma_wait3A_24] : memref<500224x128xf32, #tpu.memory_space<hbm>> -> memref<500224x128xf32, #tpu.memory_space<hbm>>
      tpu.wait_indirect_dma semaphore(%arg8 : memref<!tpu.dma_semaphore, #tpu.memory_space<semaphore_mem>>) src(%dma_wait3A_25 : memref<500224x128xf32, #tpu.memory_space<hbm>>) dst(%arg7 : memref<256x128xf32, #tpu.memory_space<vmem>>)
      %add3A_26 = arith.constant 16384 : i32
      %add3A_27 = arith.addi %add3A_26, %mul3A_19 : i32
      "tpu.region"() ({
        %run_scoped3A = tpu.sem_alloc : memref<!tpu.dma_semaphore, #tpu.memory_space<semaphore_mem>>
        %dma_start3A_28 = arith.constant 0 : i32
        %dma_start3A_29 = tpu.memref_slice %arg5[%add3A_27, %dma_start3A_28] : memref<344064x128xf32, #tpu.memory_space<hbm>> -> memref<256x128xf32, #tpu.memory_space<hbm>>
        %dma_start3A_30 = arith.constant 0 : i32
        %dma_start3A_31 = tpu.memref_slice %arg5[%add3A_27, %dma_start3A_30] : memref<344064x128xf32, #tpu.memory_space<hbm>> -> memref<256x128xf32, #tpu.memory_space<hbm>>
        tpu.enqueue_dma source(%arg7 : memref<256x128xf32, #tpu.memory_space<vmem>>) target(%dma_start3A_31 : memref<256x128xf32, #tpu.memory_space<hbm>>) target_semaphore(%run_scoped3A : memref<!tpu.dma_semaphore, #tpu.memory_space<semaphore_mem>>)
        %dma_wait3A_32 = arith.constant 0 : i32
        %dma_wait3A_33 = tpu.memref_slice %arg5[%add3A_27, %dma_wait3A_32] : memref<344064x128xf32, #tpu.memory_space<hbm>> -> memref<256x128xf32, #tpu.memory_space<hbm>>
        %dma_wait3A_34 = arith.constant 0 : i32
        %dma_wait3A_35 = tpu.memref_slice %arg5[%add3A_27, %dma_wait3A_34] : memref<344064x128xf32, #tpu.memory_space<hbm>> -> memref<256x128xf32, #tpu.memory_space<hbm>>
        tpu.wait_dma2 semaphore(%run_scoped3A : memref<!tpu.dma_semaphore, #tpu.memory_space<semaphore_mem>>) src(%arg7 : memref<256x128xf32, #tpu.memory_space<vmem>>) dst(%dma_wait3A_35 : memref<256x128xf32, #tpu.memory_space<hbm>>)
        tpu.yield
      }) : () -> ()
    }
    %scan3A_9 = arith.constant 40 : i32
    return
  }
}

module attributes {stable_mosaic.version = 14 : i64} {
  func.func @_relayout_body(%arg0: i32, %arg1: memref<64x512xf32, #tpu.memory_space<vmem>>, %arg2: memref<64x512xf32, #tpu.memory_space<vmem>>, %arg3: memref<64x512xf32, #tpu.memory_space<vmem>>, %arg4: memref<64x512xf32, #tpu.memory_space<vmem>>, %arg5: memref<512x128xf32, #tpu.memory_space<vmem>>, %arg6: memref<512x128xf32, #tpu.memory_space<vmem>>) attributes {dimension_semantics = [#tpu.dimension_semantics<arbitrary>], iteration_bounds = array<i64: 977>, scalar_prefetch = 0 : i64, scratch_operands = 0 : i64, tpu.core_type = #tpu.core_type<tc>, window_params = [{transform_indices = @transform_0, window_bounds = array<i64: 64, 512>}, {transform_indices = @transform_1, window_bounds = array<i64: 64, 512>}, {transform_indices = @transform_2, window_bounds = array<i64: 64, 512>}, {transform_indices = @transform_3, window_bounds = array<i64: 64, 512>}, {transform_indices = @transform_4, window_bounds = array<i64: 512, 128>}, {transform_indices = @transform_5, window_bounds = array<i64: 512, 128>}]} {
    %get3A = arith.constant 0 : index
    %get3A_0 = arith.constant 0 : index
    %get3A_1 = vector.load %arg1[%get3A, %get3A_0] : memref<64x512xf32, #tpu.memory_space<vmem>>, vector<64x512xf32>
    %transpose3A = tpu.transpose %get3A_1, [1, 0] : vector<64x512xf32> -> vector<512x64xf32>
    %get3A_2 = arith.constant 0 : index
    %get3A_3 = arith.constant 0 : index
    %get3A_4 = vector.load %arg2[%get3A_2, %get3A_3] : memref<64x512xf32, #tpu.memory_space<vmem>>, vector<64x512xf32>
    %transpose3A_5 = tpu.transpose %get3A_4, [1, 0] : vector<64x512xf32> -> vector<512x64xf32>
    %concatenate3A = tpu.concatenate %transpose3A, %transpose3A_5 in 1 : vector<512x64xf32>, vector<512x64xf32> -> vector<512x128xf32>
    %swap3A = arith.constant 0 : index
    %swap3A_6 = arith.constant 0 : index
    %swap3A_7 = vector.load %arg5[%swap3A, %swap3A_6] : memref<512x128xf32, #tpu.memory_space<vmem>>, vector<512x128xf32>
    tpu.vector_store %arg5[%swap3A, %swap3A_6], %concatenate3A {strides = array<i32>} : memref<512x128xf32, #tpu.memory_space<vmem>>, vector<512x128xf32>,
    %get3A_8 = arith.constant 0 : index
    %get3A_9 = arith.constant 0 : index
    %get3A_10 = vector.load %arg3[%get3A_8, %get3A_9] : memref<64x512xf32, #tpu.memory_space<vmem>>, vector<64x512xf32>
    %transpose3A_11 = tpu.transpose %get3A_10, [1, 0] : vector<64x512xf32> -> vector<512x64xf32>
    %get3A_12 = arith.constant 0 : index
    %get3A_13 = arith.constant 0 : index
    %get3A_14 = vector.load %arg4[%get3A_12, %get3A_13] : memref<64x512xf32, #tpu.memory_space<vmem>>, vector<64x512xf32>
    %transpose3A_15 = tpu.transpose %get3A_14, [1, 0] : vector<64x512xf32> -> vector<512x64xf32>
    %concatenate3A_16 = tpu.concatenate %transpose3A_11, %transpose3A_15 in 1 : vector<512x64xf32>, vector<512x64xf32> -> vector<512x128xf32>
    %swap3A_17 = arith.constant 0 : index
    %swap3A_18 = arith.constant 0 : index
    %swap3A_19 = vector.load %arg6[%swap3A_17, %swap3A_18] : memref<512x128xf32, #tpu.memory_space<vmem>>, vector<512x128xf32>
    tpu.vector_store %arg6[%swap3A_17, %swap3A_18], %concatenate3A_16 {strides = array<i32>} : memref<512x128xf32, #tpu.memory_space<vmem>>, vector<512x128xf32>,
    return
  }
  func.func @transform_0(%arg0: i32) -> (i32, i32) {
    %c0_i32 = arith.constant 0 : i32
    %c0_i32_0 = arith.constant 0 : i32
    return %c0_i32, %arg0 : i32, i32
  }
  func.func @transform_1(%arg0: i32) -> (i32, i32) {
    %add3A = arith.constant 977 : i32
    %add3A_0 = arith.addi %arg0, %add3A : i32
    %c0_i32 = arith.constant 0 : i32
    %c0_i32_1 = arith.constant 0 : i32
    return %c0_i32, %add3A_0 : i32, i32
  }
  func.func @transform_2(%arg0: i32) -> (i32, i32) {
    %c0_i32 = arith.constant 0 : i32
    %c0_i32_0 = arith.constant 0 : i32
    return %c0_i32, %arg0 : i32, i32
  }
  func.func @transform_3(%arg0: i32) -> (i32, i32) {
    %add3A = arith.constant 977 : i32
    %add3A_0 = arith.addi %arg0, %add3A : i32
    %c0_i32 = arith.constant 0 : i32
    %c0_i32_1 = arith.constant 0 : i32
    return %c0_i32, %add3A_0 : i32, i32
  }
  func.func @transform_4(%arg0: i32) -> (i32, i32) {
    %c0_i32 = arith.constant 0 : i32
    %c0_i32_0 = arith.constant 0 : i32
    return %arg0, %c0_i32 : i32, i32
  }
  func.func @transform_5(%arg0: i32) -> (i32, i32) {
    %c0_i32 = arith.constant 0 : i32
    %c0_i32_0 = arith.constant 0 : i32
    return %arg0, %c0_i32 : i32, i32
  }
}

module attributes {stable_mosaic.version = 14 : i64} {
  func.func @_tc_body(%arg0: i32, %arg1: memref<21x256x128xf32, #tpu.memory_space<vmem>>, %arg2: memref<256x21xi32, #tpu.memory_space<vmem>>, %arg3: memref<1x1xf32, #tpu.memory_space<smem>>) attributes {dimension_semantics = [#tpu.dimension_semantics<arbitrary>], iteration_bounds = array<i64: 64>, scalar_prefetch = 0 : i64, scratch_operands = 0 : i64, tpu.core_type = #tpu.core_type<tc>, window_params = [{transform_indices = @transform_0, window_bounds = array<i64: 21, 256, 128>}, {transform_indices = @transform_1, window_bounds = array<i64: 256, 21>}, {transform_indices = @transform_2, window_bounds = array<i64: 1, 1>}]} {
    %get3A = arith.constant 0 : index
    %get3A_0 = arith.constant 0 : index
    %get3A_1 = arith.constant 0 : index
    %get3A_2 = vector.load %arg1[%get3A, %get3A_0, %get3A_1] : memref<21x256x128xf32, #tpu.memory_space<vmem>>, vector<1x256x128xf32>
    %get3A_3 = vector.shape_cast %get3A_2 : vector<1x256x128xf32> to vector<256x128xf32>
    %get3A_4 = arith.constant 0 : index
    %get3A_5 = arith.constant 0 : index
    %get3A_6 = vector.load %arg2[%get3A_4, %get3A_5] : memref<256x21xi32, #tpu.memory_space<vmem>>, vector<256x1xi32>
    %eq3A = arith.constant 1 : i32
    %eq3A_7 = vector.broadcast %eq3A : i32 to vector<256x1xi32>
    %eq3A_8 = arith.cmpi eq, %get3A_6, %eq3A_7 : vector<256x1xi32>
    %slice3A = vector.extract_strided_slice %get3A_3 {offsets = [0, 64], sizes = [256, 64], strides = [1, 1]} : vector<256x128xf32> to vector<256x64xf32>
    %slice3A_9 = vector.extract_strided_slice %get3A_3 {offsets = [0, 0], sizes = [256, 64], strides = [1, 1]} : vector<256x128xf32> to vector<256x64xf32>
    %broadcast_in_dim3A = vector.shape_cast %eq3A_8 : vector<256x1xi1> to vector<256x1xi1>
    %broadcast_in_dim3A_10 = vector.broadcast %broadcast_in_dim3A : vector<256x1xi1> to vector<256x64xi1>
    %select_n3A = arith.select %broadcast_in_dim3A_10, %slice3A, %slice3A_9 : vector<256x64xi1>, vector<256x64xf32>
    %get3A_11 = arith.constant 1 : index
    %get3A_12 = arith.constant 0 : index
    %get3A_13 = arith.constant 0 : index
    %get3A_14 = vector.load %arg1[%get3A_11, %get3A_12, %get3A_13] : memref<21x256x128xf32, #tpu.memory_space<vmem>>, vector<1x256x128xf32>
    %get3A_15 = vector.shape_cast %get3A_14 : vector<1x256x128xf32> to vector<256x128xf32>
    %get3A_16 = arith.constant 0 : index
    %get3A_17 = arith.constant 1 : index
    %get3A_18 = vector.load %arg2[%get3A_16, %get3A_17] : memref<256x21xi32, #tpu.memory_space<vmem>>, vector<256x1xi32>
    %eq3A_19 = arith.constant 1 : i32
    %eq3A_20 = vector.broadcast %eq3A_19 : i32 to vector<256x1xi32>
    %eq3A_21 = arith.cmpi eq, %get3A_18, %eq3A_20 : vector<256x1xi32>
    %slice3A_22 = vector.extract_strided_slice %get3A_15 {offsets = [0, 64], sizes = [256, 64], strides = [1, 1]} : vector<256x128xf32> to vector<256x64xf32>
    %slice3A_23 = vector.extract_strided_slice %get3A_15 {offsets = [0, 0], sizes = [256, 64], strides = [1, 1]} : vector<256x128xf32> to vector<256x64xf32>
    %broadcast_in_dim3A_24 = vector.shape_cast %eq3A_21 : vector<256x1xi1> to vector<256x1xi1>
    %broadcast_in_dim3A_25 = vector.broadcast %broadcast_in_dim3A_24 : vector<256x1xi1> to vector<256x64xi1>
    %select_n3A_26 = arith.select %broadcast_in_dim3A_25, %slice3A_22, %slice3A_23 : vector<256x64xi1>, vector<256x64xf32>
    %mul3A = arith.mulf %select_n3A, %select_n3A_26 : vector<256x64xf32>
    %reduce_sum3A = arith.constant dense<0.000000e+00> : vector<256xf32>
    %reduce_sum3A_27 = vector.multi_reduction <add>, %mul3A, %reduce_sum3A [1] : vector<256x64xf32> to vector<256xf32>
    %broadcast_in_dim3A_28 = vector.shape_cast %reduce_sum3A_27 : vector<256xf32> to vector<256x1xf32>
    %get3A_29 = arith.constant 2 : index
    %get3A_30 = arith.constant 0 : index
    %get3A_31 = arith.constant 0 : index
    %get3A_32 = vector.load %arg1[%get3A_29, %get3A_30, %get3A_31] : memref<21x256x128xf32, #tpu.memory_space<vmem>>, vector<1x256x128xf32>
    %get3A_33 = vector.shape_cast %get3A_32 : vector<1x256x128xf32> to vector<256x128xf32>
    %get3A_34 = arith.constant 0 : index
    %get3A_35 = arith.constant 2 : index
    %get3A_36 = vector.load %arg2[%get3A_34, %get3A_35] : memref<256x21xi32, #tpu.memory_space<vmem>>, vector<256x1xi32>
    %eq3A_37 = arith.constant 1 : i32
    %eq3A_38 = vector.broadcast %eq3A_37 : i32 to vector<256x1xi32>
    %eq3A_39 = arith.cmpi eq, %get3A_36, %eq3A_38 : vector<256x1xi32>
    %slice3A_40 = vector.extract_strided_slice %get3A_33 {offsets = [0, 64], sizes = [256, 64], strides = [1, 1]} : vector<256x128xf32> to vector<256x64xf32>
    %slice3A_41 = vector.extract_strided_slice %get3A_33 {offsets = [0, 0], sizes = [256, 64], strides = [1, 1]} : vector<256x128xf32> to vector<256x64xf32>
    %broadcast_in_dim3A_42 = vector.shape_cast %eq3A_39 : vector<256x1xi1> to vector<256x1xi1>
    %broadcast_in_dim3A_43 = vector.broadcast %broadcast_in_dim3A_42 : vector<256x1xi1> to vector<256x64xi1>
    %select_n3A_44 = arith.select %broadcast_in_dim3A_43, %slice3A_40, %slice3A_41 : vector<256x64xi1>, vector<256x64xf32>
    %mul3A_45 = arith.mulf %select_n3A, %select_n3A_44 : vector<256x64xf32>
    %reduce_sum3A_46 = arith.constant dense<0.000000e+00> : vector<256xf32>
    %reduce_sum3A_47 = vector.multi_reduction <add>, %mul3A_45, %reduce_sum3A_46 [1] : vector<256x64xf32> to vector<256xf32>
    %broadcast_in_dim3A_48 = vector.shape_cast %reduce_sum3A_47 : vector<256xf32> to vector<256x1xf32>
    %get3A_49 = arith.constant 3 : index
    %get3A_50 = arith.constant 0 : index
    %get3A_51 = arith.constant 0 : index
    %get3A_52 = vector.load %arg1[%get3A_49, %get3A_50, %get3A_51] : memref<21x256x128xf32, #tpu.memory_space<vmem>>, vector<1x256x128xf32>
    %get3A_53 = vector.shape_cast %get3A_52 : vector<1x256x128xf32> to vector<256x128xf32>
    %get3A_54 = arith.constant 0 : index
    %get3A_55 = arith.constant 3 : index
    %get3A_56 = vector.load %arg2[%get3A_54, %get3A_55] : memref<256x21xi32, #tpu.memory_space<vmem>>, vector<256x1xi32>
    %eq3A_57 = arith.constant 1 : i32
    %eq3A_58 = vector.broadcast %eq3A_57 : i32 to vector<256x1xi32>
    %eq3A_59 = arith.cmpi eq, %get3A_56, %eq3A_58 : vector<256x1xi32>
    %slice3A_60 = vector.extract_strided_slice %get3A_53 {offsets = [0, 64], sizes = [256, 64], strides = [1, 1]} : vector<256x128xf32> to vector<256x64xf32>
    %slice3A_61 = vector.extract_strided_slice %get3A_53 {offsets = [0, 0], sizes = [256, 64], strides = [1, 1]} : vector<256x128xf32> to vector<256x64xf32>
    %broadcast_in_dim3A_62 = vector.shape_cast %eq3A_59 : vector<256x1xi1> to vector<256x1xi1>
    %broadcast_in_dim3A_63 = vector.broadcast %broadcast_in_dim3A_62 : vector<256x1xi1> to vector<256x64xi1>
    %select_n3A_64 = arith.select %broadcast_in_dim3A_63, %slice3A_60, %slice3A_61 : vector<256x64xi1>, vector<256x64xf32>
    %mul3A_65 = arith.mulf %select_n3A, %select_n3A_64 : vector<256x64xf32>
    %reduce_sum3A_66 = arith.constant dense<0.000000e+00> : vector<256xf32>
    %reduce_sum3A_67 = vector.multi_reduction <add>, %mul3A_65, %reduce_sum3A_66 [1] : vector<256x64xf32> to vector<256xf32>
    %broadcast_in_dim3A_68 = vector.shape_cast %reduce_sum3A_67 : vector<256xf32> to vector<256x1xf32>
    %get3A_69 = arith.constant 4 : index
    %get3A_70 = arith.constant 0 : index
    %get3A_71 = arith.constant 0 : index
    %get3A_72 = vector.load %arg1[%get3A_69, %get3A_70, %get3A_71] : memref<21x256x128xf32, #tpu.memory_space<vmem>>, vector<1x256x128xf32>
    %get3A_73 = vector.shape_cast %get3A_72 : vector<1x256x128xf32> to vector<256x128xf32>
    %get3A_74 = arith.constant 0 : index
    %get3A_75 = arith.constant 4 : index
    %get3A_76 = vector.load %arg2[%get3A_74, %get3A_75] : memref<256x21xi32, #tpu.memory_space<vmem>>, vector<256x1xi32>
    %eq3A_77 = arith.constant 1 : i32
    %eq3A_78 = vector.broadcast %eq3A_77 : i32 to vector<256x1xi32>
    %eq3A_79 = arith.cmpi eq, %get3A_76, %eq3A_78 : vector<256x1xi32>
    %slice3A_80 = vector.extract_strided_slice %get3A_73 {offsets = [0, 64], sizes = [256, 64], strides = [1, 1]} : vector<256x128xf32> to vector<256x64xf32>
    %slice3A_81 = vector.extract_strided_slice %get3A_73 {offsets = [0, 0], sizes = [256, 64], strides = [1, 1]} : vector<256x128xf32> to vector<256x64xf32>
    %broadcast_in_dim3A_82 = vector.shape_cast %eq3A_79 : vector<256x1xi1> to vector<256x1xi1>
    %broadcast_in_dim3A_83 = vector.broadcast %broadcast_in_dim3A_82 : vector<256x1xi1> to vector<256x64xi1>
    %select_n3A_84 = arith.select %broadcast_in_dim3A_83, %slice3A_80, %slice3A_81 : vector<256x64xi1>, vector<256x64xf32>
    %mul3A_85 = arith.mulf %select_n3A, %select_n3A_84 : vector<256x64xf32>
    %reduce_sum3A_86 = arith.constant dense<0.000000e+00> : vector<256xf32>
    %reduce_sum3A_87 = vector.multi_reduction <add>, %mul3A_85, %reduce_sum3A_86 [1] : vector<256x64xf32> to vector<256xf32>
    %broadcast_in_dim3A_88 = vector.shape_cast %reduce_sum3A_87 : vector<256xf32> to vector<256x1xf32>
    %get3A_89 = arith.constant 5 : index
    %get3A_90 = arith.constant 0 : index
    %get3A_91 = arith.constant 0 : index
    %get3A_92 = vector.load %arg1[%get3A_89, %get3A_90, %get3A_91] : memref<21x256x128xf32, #tpu.memory_space<vmem>>, vector<1x256x128xf32>
    %get3A_93 = vector.shape_cast %get3A_92 : vector<1x256x128xf32> to vector<256x128xf32>
    %get3A_94 = arith.constant 0 : index
    %get3A_95 = arith.constant 5 : index
    %get3A_96 = vector.load %arg2[%get3A_94, %get3A_95] : memref<256x21xi32, #tpu.memory_space<vmem>>, vector<256x1xi32>
    %eq3A_97 = arith.constant 1 : i32
    %eq3A_98 = vector.broadcast %eq3A_97 : i32 to vector<256x1xi32>
    %eq3A_99 = arith.cmpi eq, %get3A_96, %eq3A_98 : vector<256x1xi32>
    %slice3A_100 = vector.extract_strided_slice %get3A_93 {offsets = [0, 64], sizes = [256, 64], strides = [1, 1]} : vector<256x128xf32> to vector<256x64xf32>
    %slice3A_101 = vector.extract_strided_slice %get3A_93 {offsets = [0, 0], sizes = [256, 64], strides = [1, 1]} : vector<256x128xf32> to vector<256x64xf32>
    %broadcast_in_dim3A_102 = vector.shape_cast %eq3A_99 : vector<256x1xi1> to vector<256x1xi1>
    %broadcast_in_dim3A_103 = vector.broadcast %broadcast_in_dim3A_102 : vector<256x1xi1> to vector<256x64xi1>
    %select_n3A_104 = arith.select %broadcast_in_dim3A_103, %slice3A_100, %slice3A_101 : vector<256x64xi1>, vector<256x64xf32>
    %mul3A_105 = arith.mulf %select_n3A, %select_n3A_104 : vector<256x64xf32>
    %reduce_sum3A_106 = arith.constant dense<0.000000e+00> : vector<256xf32>
    %reduce_sum3A_107 = vector.multi_reduction <add>, %mul3A_105, %reduce_sum3A_106 [1] : vector<256x64xf32> to vector<256xf32>
    %broadcast_in_dim3A_108 = vector.shape_cast %reduce_sum3A_107 : vector<256xf32> to vector<256x1xf32>
    %get3A_109 = arith.constant 6 : index
    %get3A_110 = arith.constant 0 : index
    %get3A_111 = arith.constant 0 : index
    %get3A_112 = vector.load %arg1[%get3A_109, %get3A_110, %get3A_111] : memref<21x256x128xf32, #tpu.memory_space<vmem>>, vector<1x256x128xf32>
    %get3A_113 = vector.shape_cast %get3A_112 : vector<1x256x128xf32> to vector<256x128xf32>
    %get3A_114 = arith.constant 0 : index
    %get3A_115 = arith.constant 6 : index
    %get3A_116 = vector.load %arg2[%get3A_114, %get3A_115] : memref<256x21xi32, #tpu.memory_space<vmem>>, vector<256x1xi32>
    %eq3A_117 = arith.constant 1 : i32
    %eq3A_118 = vector.broadcast %eq3A_117 : i32 to vector<256x1xi32>
    %eq3A_119 = arith.cmpi eq, %get3A_116, %eq3A_118 : vector<256x1xi32>
    %slice3A_120 = vector.extract_strided_slice %get3A_113 {offsets = [0, 64], sizes = [256, 64], strides = [1, 1]} : vector<256x128xf32> to vector<256x64xf32>
    %slice3A_121 = vector.extract_strided_slice %get3A_113 {offsets = [0, 0], sizes = [256, 64], strides = [1, 1]} : vector<256x128xf32> to vector<256x64xf32>
    %broadcast_in_dim3A_122 = vector.shape_cast %eq3A_119 : vector<256x1xi1> to vector<256x1xi1>
    %broadcast_in_dim3A_123 = vector.broadcast %broadcast_in_dim3A_122 : vector<256x1xi1> to vector<256x64xi1>
    %select_n3A_124 = arith.select %broadcast_in_dim3A_123, %slice3A_120, %slice3A_121 : vector<256x64xi1>, vector<256x64xf32>
    %mul3A_125 = arith.mulf %select_n3A, %select_n3A_124 : vector<256x64xf32>
    %reduce_sum3A_126 = arith.constant dense<0.000000e+00> : vector<256xf32>
    %reduce_sum3A_127 = vector.multi_reduction <add>, %mul3A_125, %reduce_sum3A_126 [1] : vector<256x64xf32> to vector<256xf32>
    %broadcast_in_dim3A_128 = vector.shape_cast %reduce_sum3A_127 : vector<256xf32> to vector<256x1xf32>
    %get3A_129 = arith.constant 7 : index
    %get3A_130 = arith.constant 0 : index
    %get3A_131 = arith.constant 0 : index
    %get3A_132 = vector.load %arg1[%get3A_129, %get3A_130, %get3A_131] : memref<21x256x128xf32, #tpu.memory_space<vmem>>, vector<1x256x128xf32>
    %get3A_133 = vector.shape_cast %get3A_132 : vector<1x256x128xf32> to vector<256x128xf32>
    %get3A_134 = arith.constant 0 : index
    %get3A_135 = arith.constant 7 : index
    %get3A_136 = vector.load %arg2[%get3A_134, %get3A_135] : memref<256x21xi32, #tpu.memory_space<vmem>>, vector<256x1xi32>
    %eq3A_137 = arith.constant 1 : i32
    %eq3A_138 = vector.broadcast %eq3A_137 : i32 to vector<256x1xi32>
    %eq3A_139 = arith.cmpi eq, %get3A_136, %eq3A_138 : vector<256x1xi32>
    %slice3A_140 = vector.extract_strided_slice %get3A_133 {offsets = [0, 64], sizes = [256, 64], strides = [1, 1]} : vector<256x128xf32> to vector<256x64xf32>
    %slice3A_141 = vector.extract_strided_slice %get3A_133 {offsets = [0, 0], sizes = [256, 64], strides = [1, 1]} : vector<256x128xf32> to vector<256x64xf32>
    %broadcast_in_dim3A_142 = vector.shape_cast %eq3A_139 : vector<256x1xi1> to vector<256x1xi1>
    %broadcast_in_dim3A_143 = vector.broadcast %broadcast_in_dim3A_142 : vector<256x1xi1> to vector<256x64xi1>
    %select_n3A_144 = arith.select %broadcast_in_dim3A_143, %slice3A_140, %slice3A_141 : vector<256x64xi1>, vector<256x64xf32>
    %mul3A_145 = arith.mulf %select_n3A, %select_n3A_144 : vector<256x64xf32>
    %reduce_sum3A_146 = arith.constant dense<0.000000e+00> : vector<256xf32>
    %reduce_sum3A_147 = vector.multi_reduction <add>, %mul3A_145, %reduce_sum3A_146 [1] : vector<256x64xf32> to vector<256xf32>
    %broadcast_in_dim3A_148 = vector.shape_cast %reduce_sum3A_147 : vector<256xf32> to vector<256x1xf32>
    %get3A_149 = arith.constant 8 : index
    %get3A_150 = arith.constant 0 : index
    %get3A_151 = arith.constant 0 : index
    %get3A_152 = vector.load %arg1[%get3A_149, %get3A_150, %get3A_151] : memref<21x256x128xf32, #tpu.memory_space<vmem>>, vector<1x256x128xf32>
    %get3A_153 = vector.shape_cast %get3A_152 : vector<1x256x128xf32> to vector<256x128xf32>
    %get3A_154 = arith.constant 0 : index
    %get3A_155 = arith.constant 8 : index
    %get3A_156 = vector.load %arg2[%get3A_154, %get3A_155] : memref<256x21xi32, #tpu.memory_space<vmem>>, vector<256x1xi32>
    %eq3A_157 = arith.constant 1 : i32
    %eq3A_158 = vector.broadcast %eq3A_157 : i32 to vector<256x1xi32>
    %eq3A_159 = arith.cmpi eq, %get3A_156, %eq3A_158 : vector<256x1xi32>
    %slice3A_160 = vector.extract_strided_slice %get3A_153 {offsets = [0, 64], sizes = [256, 64], strides = [1, 1]} : vector<256x128xf32> to vector<256x64xf32>
    %slice3A_161 = vector.extract_strided_slice %get3A_153 {offsets = [0, 0], sizes = [256, 64], strides = [1, 1]} : vector<256x128xf32> to vector<256x64xf32>
    %broadcast_in_dim3A_162 = vector.shape_cast %eq3A_159 : vector<256x1xi1> to vector<256x1xi1>
    %broadcast_in_dim3A_163 = vector.broadcast %broadcast_in_dim3A_162 : vector<256x1xi1> to vector<256x64xi1>
    %select_n3A_164 = arith.select %broadcast_in_dim3A_163, %slice3A_160, %slice3A_161 : vector<256x64xi1>, vector<256x64xf32>
    %mul3A_165 = arith.mulf %select_n3A, %select_n3A_164 : vector<256x64xf32>
    %reduce_sum3A_166 = arith.constant dense<0.000000e+00> : vector<256xf32>
    %reduce_sum3A_167 = vector.multi_reduction <add>, %mul3A_165, %reduce_sum3A_166 [1] : vector<256x64xf32> to vector<256xf32>
    %broadcast_in_dim3A_168 = vector.shape_cast %reduce_sum3A_167 : vector<256xf32> to vector<256x1xf32>
    %get3A_169 = arith.constant 9 : index
    %get3A_170 = arith.constant 0 : index
    %get3A_171 = arith.constant 0 : index
    %get3A_172 = vector.load %arg1[%get3A_169, %get3A_170, %get3A_171] : memref<21x256x128xf32, #tpu.memory_space<vmem>>, vector<1x256x128xf32>
    %get3A_173 = vector.shape_cast %get3A_172 : vector<1x256x128xf32> to vector<256x128xf32>
    %get3A_174 = arith.constant 0 : index
    %get3A_175 = arith.constant 9 : index
    %get3A_176 = vector.load %arg2[%get3A_174, %get3A_175] : memref<256x21xi32, #tpu.memory_space<vmem>>, vector<256x1xi32>
    %eq3A_177 = arith.constant 1 : i32
    %eq3A_178 = vector.broadcast %eq3A_177 : i32 to vector<256x1xi32>
    %eq3A_179 = arith.cmpi eq, %get3A_176, %eq3A_178 : vector<256x1xi32>
    %slice3A_180 = vector.extract_strided_slice %get3A_173 {offsets = [0, 64], sizes = [256, 64], strides = [1, 1]} : vector<256x128xf32> to vector<256x64xf32>
    %slice3A_181 = vector.extract_strided_slice %get3A_173 {offsets = [0, 0], sizes = [256, 64], strides = [1, 1]} : vector<256x128xf32> to vector<256x64xf32>
    %broadcast_in_dim3A_182 = vector.shape_cast %eq3A_179 : vector<256x1xi1> to vector<256x1xi1>
    %broadcast_in_dim3A_183 = vector.broadcast %broadcast_in_dim3A_182 : vector<256x1xi1> to vector<256x64xi1>
    %select_n3A_184 = arith.select %broadcast_in_dim3A_183, %slice3A_180, %slice3A_181 : vector<256x64xi1>, vector<256x64xf32>
    %mul3A_185 = arith.mulf %select_n3A, %select_n3A_184 : vector<256x64xf32>
    %reduce_sum3A_186 = arith.constant dense<0.000000e+00> : vector<256xf32>
    %reduce_sum3A_187 = vector.multi_reduction <add>, %mul3A_185, %reduce_sum3A_186 [1] : vector<256x64xf32> to vector<256xf32>
    %broadcast_in_dim3A_188 = vector.shape_cast %reduce_sum3A_187 : vector<256xf32> to vector<256x1xf32>
    %get3A_189 = arith.constant 10 : index
    %get3A_190 = arith.constant 0 : index
    %get3A_191 = arith.constant 0 : index
    %get3A_192 = vector.load %arg1[%get3A_189, %get3A_190, %get3A_191] : memref<21x256x128xf32, #tpu.memory_space<vmem>>, vector<1x256x128xf32>
    %get3A_193 = vector.shape_cast %get3A_192 : vector<1x256x128xf32> to vector<256x128xf32>
    %get3A_194 = arith.constant 0 : index
    %get3A_195 = arith.constant 10 : index
    %get3A_196 = vector.load %arg2[%get3A_194, %get3A_195] : memref<256x21xi32, #tpu.memory_space<vmem>>, vector<256x1xi32>
    %eq3A_197 = arith.constant 1 : i32
    %eq3A_198 = vector.broadcast %eq3A_197 : i32 to vector<256x1xi32>
    %eq3A_199 = arith.cmpi eq, %get3A_196, %eq3A_198 : vector<256x1xi32>
    %slice3A_200 = vector.extract_strided_slice %get3A_193 {offsets = [0, 64], sizes = [256, 64], strides = [1, 1]} : vector<256x128xf32> to vector<256x64xf32>
    %slice3A_201 = vector.extract_strided_slice %get3A_193 {offsets = [0, 0], sizes = [256, 64], strides = [1, 1]} : vector<256x128xf32> to vector<256x64xf32>
    %broadcast_in_dim3A_202 = vector.shape_cast %eq3A_199 : vector<256x1xi1> to vector<256x1xi1>
    %broadcast_in_dim3A_203 = vector.broadcast %broadcast_in_dim3A_202 : vector<256x1xi1> to vector<256x64xi1>
    %select_n3A_204 = arith.select %broadcast_in_dim3A_203, %slice3A_200, %slice3A_201 : vector<256x64xi1>, vector<256x64xf32>
    %mul3A_205 = arith.mulf %select_n3A, %select_n3A_204 : vector<256x64xf32>
    %reduce_sum3A_206 = arith.constant dense<0.000000e+00> : vector<256xf32>
    %reduce_sum3A_207 = vector.multi_reduction <add>, %mul3A_205, %reduce_sum3A_206 [1] : vector<256x64xf32> to vector<256xf32>
    %broadcast_in_dim3A_208 = vector.shape_cast %reduce_sum3A_207 : vector<256xf32> to vector<256x1xf32>
    %get3A_209 = arith.constant 11 : index
    %get3A_210 = arith.constant 0 : index
    %get3A_211 = arith.constant 0 : index
    %get3A_212 = vector.load %arg1[%get3A_209, %get3A_210, %get3A_211] : memref<21x256x128xf32, #tpu.memory_space<vmem>>, vector<1x256x128xf32>
    %get3A_213 = vector.shape_cast %get3A_212 : vector<1x256x128xf32> to vector<256x128xf32>
    %get3A_214 = arith.constant 0 : index
    %get3A_215 = arith.constant 11 : index
    %get3A_216 = vector.load %arg2[%get3A_214, %get3A_215] : memref<256x21xi32, #tpu.memory_space<vmem>>, vector<256x1xi32>
    %eq3A_217 = arith.constant 1 : i32
    %eq3A_218 = vector.broadcast %eq3A_217 : i32 to vector<256x1xi32>
    %eq3A_219 = arith.cmpi eq, %get3A_216, %eq3A_218 : vector<256x1xi32>
    %slice3A_220 = vector.extract_strided_slice %get3A_213 {offsets = [0, 64], sizes = [256, 64], strides = [1, 1]} : vector<256x128xf32> to vector<256x64xf32>
    %slice3A_221 = vector.extract_strided_slice %get3A_213 {offsets = [0, 0], sizes = [256, 64], strides = [1, 1]} : vector<256x128xf32> to vector<256x64xf32>
    %broadcast_in_dim3A_222 = vector.shape_cast %eq3A_219 : vector<256x1xi1> to vector<256x1xi1>
    %broadcast_in_dim3A_223 = vector.broadcast %broadcast_in_dim3A_222 : vector<256x1xi1> to vector<256x64xi1>
    %select_n3A_224 = arith.select %broadcast_in_dim3A_223, %slice3A_220, %slice3A_221 : vector<256x64xi1>, vector<256x64xf32>
    %mul3A_225 = arith.mulf %select_n3A, %select_n3A_224 : vector<256x64xf32>
    %reduce_sum3A_226 = arith.constant dense<0.000000e+00> : vector<256xf32>
    %reduce_sum3A_227 = vector.multi_reduction <add>, %mul3A_225, %reduce_sum3A_226 [1] : vector<256x64xf32> to vector<256xf32>
    %broadcast_in_dim3A_228 = vector.shape_cast %reduce_sum3A_227 : vector<256xf32> to vector<256x1xf32>
    %get3A_229 = arith.constant 12 : index
    %get3A_230 = arith.constant 0 : index
    %get3A_231 = arith.constant 0 : index
    %get3A_232 = vector.load %arg1[%get3A_229, %get3A_230, %get3A_231] : memref<21x256x128xf32, #tpu.memory_space<vmem>>, vector<1x256x128xf32>
    %get3A_233 = vector.shape_cast %get3A_232 : vector<1x256x128xf32> to vector<256x128xf32>
    %get3A_234 = arith.constant 0 : index
    %get3A_235 = arith.constant 12 : index
    %get3A_236 = vector.load %arg2[%get3A_234, %get3A_235] : memref<256x21xi32, #tpu.memory_space<vmem>>, vector<256x1xi32>
    %eq3A_237 = arith.constant 1 : i32
    %eq3A_238 = vector.broadcast %eq3A_237 : i32 to vector<256x1xi32>
    %eq3A_239 = arith.cmpi eq, %get3A_236, %eq3A_238 : vector<256x1xi32>
    %slice3A_240 = vector.extract_strided_slice %get3A_233 {offsets = [0, 64], sizes = [256, 64], strides = [1, 1]} : vector<256x128xf32> to vector<256x64xf32>
    %slice3A_241 = vector.extract_strided_slice %get3A_233 {offsets = [0, 0], sizes = [256, 64], strides = [1, 1]} : vector<256x128xf32> to vector<256x64xf32>
    %broadcast_in_dim3A_242 = vector.shape_cast %eq3A_239 : vector<256x1xi1> to vector<256x1xi1>
    %broadcast_in_dim3A_243 = vector.broadcast %broadcast_in_dim3A_242 : vector<256x1xi1> to vector<256x64xi1>
    %select_n3A_244 = arith.select %broadcast_in_dim3A_243, %slice3A_240, %slice3A_241 : vector<256x64xi1>, vector<256x64xf32>
    %mul3A_245 = arith.mulf %select_n3A, %select_n3A_244 : vector<256x64xf32>
    %reduce_sum3A_246 = arith.constant dense<0.000000e+00> : vector<256xf32>
    %reduce_sum3A_247 = vector.multi_reduction <add>, %mul3A_245, %reduce_sum3A_246 [1] : vector<256x64xf32> to vector<256xf32>
    %broadcast_in_dim3A_248 = vector.shape_cast %reduce_sum3A_247 : vector<256xf32> to vector<256x1xf32>
    %get3A_249 = arith.constant 13 : index
    %get3A_250 = arith.constant 0 : index
    %get3A_251 = arith.constant 0 : index
    %get3A_252 = vector.load %arg1[%get3A_249, %get3A_250, %get3A_251] : memref<21x256x128xf32, #tpu.memory_space<vmem>>, vector<1x256x128xf32>
    %get3A_253 = vector.shape_cast %get3A_252 : vector<1x256x128xf32> to vector<256x128xf32>
    %get3A_254 = arith.constant 0 : index
    %get3A_255 = arith.constant 13 : index
    %get3A_256 = vector.load %arg2[%get3A_254, %get3A_255] : memref<256x21xi32, #tpu.memory_space<vmem>>, vector<256x1xi32>
    %eq3A_257 = arith.constant 1 : i32
    %eq3A_258 = vector.broadcast %eq3A_257 : i32 to vector<256x1xi32>
    %eq3A_259 = arith.cmpi eq, %get3A_256, %eq3A_258 : vector<256x1xi32>
    %slice3A_260 = vector.extract_strided_slice %get3A_253 {offsets = [0, 64], sizes = [256, 64], strides = [1, 1]} : vector<256x128xf32> to vector<256x64xf32>
    %slice3A_261 = vector.extract_strided_slice %get3A_253 {offsets = [0, 0], sizes = [256, 64], strides = [1, 1]} : vector<256x128xf32> to vector<256x64xf32>
    %broadcast_in_dim3A_262 = vector.shape_cast %eq3A_259 : vector<256x1xi1> to vector<256x1xi1>
    %broadcast_in_dim3A_263 = vector.broadcast %broadcast_in_dim3A_262 : vector<256x1xi1> to vector<256x64xi1>
    %select_n3A_264 = arith.select %broadcast_in_dim3A_263, %slice3A_260, %slice3A_261 : vector<256x64xi1>, vector<256x64xf32>
    %mul3A_265 = arith.mulf %select_n3A, %select_n3A_264 : vector<256x64xf32>
    %reduce_sum3A_266 = arith.constant dense<0.000000e+00> : vector<256xf32>
    %reduce_sum3A_267 = vector.multi_reduction <add>, %mul3A_265, %reduce_sum3A_266 [1] : vector<256x64xf32> to vector<256xf32>
    %broadcast_in_dim3A_268 = vector.shape_cast %reduce_sum3A_267 : vector<256xf32> to vector<256x1xf32>
    %get3A_269 = arith.constant 14 : index
    %get3A_270 = arith.constant 0 : index
    %get3A_271 = arith.constant 0 : index
    %get3A_272 = vector.load %arg1[%get3A_269, %get3A_270, %get3A_271] : memref<21x256x128xf32, #tpu.memory_space<vmem>>, vector<1x256x128xf32>
    %get3A_273 = vector.shape_cast %get3A_272 : vector<1x256x128xf32> to vector<256x128xf32>
    %get3A_274 = arith.constant 0 : index
    %get3A_275 = arith.constant 14 : index
    %get3A_276 = vector.load %arg2[%get3A_274, %get3A_275] : memref<256x21xi32, #tpu.memory_space<vmem>>, vector<256x1xi32>
    %eq3A_277 = arith.constant 1 : i32
    %eq3A_278 = vector.broadcast %eq3A_277 : i32 to vector<256x1xi32>
    %eq3A_279 = arith.cmpi eq, %get3A_276, %eq3A_278 : vector<256x1xi32>
    %slice3A_280 = vector.extract_strided_slice %get3A_273 {offsets = [0, 64], sizes = [256, 64], strides = [1, 1]} : vector<256x128xf32> to vector<256x64xf32>
    %slice3A_281 = vector.extract_strided_slice %get3A_273 {offsets = [0, 0], sizes = [256, 64], strides = [1, 1]} : vector<256x128xf32> to vector<256x64xf32>
    %broadcast_in_dim3A_282 = vector.shape_cast %eq3A_279 : vector<256x1xi1> to vector<256x1xi1>
    %broadcast_in_dim3A_283 = vector.broadcast %broadcast_in_dim3A_282 : vector<256x1xi1> to vector<256x64xi1>
    %select_n3A_284 = arith.select %broadcast_in_dim3A_283, %slice3A_280, %slice3A_281 : vector<256x64xi1>, vector<256x64xf32>
    %mul3A_285 = arith.mulf %select_n3A, %select_n3A_284 : vector<256x64xf32>
    %reduce_sum3A_286 = arith.constant dense<0.000000e+00> : vector<256xf32>
    %reduce_sum3A_287 = vector.multi_reduction <add>, %mul3A_285, %reduce_sum3A_286 [1] : vector<256x64xf32> to vector<256xf32>
    %broadcast_in_dim3A_288 = vector.shape_cast %reduce_sum3A_287 : vector<256xf32> to vector<256x1xf32>
    %get3A_289 = arith.constant 15 : index
    %get3A_290 = arith.constant 0 : index
    %get3A_291 = arith.constant 0 : index
    %get3A_292 = vector.load %arg1[%get3A_289, %get3A_290, %get3A_291] : memref<21x256x128xf32, #tpu.memory_space<vmem>>, vector<1x256x128xf32>
    %get3A_293 = vector.shape_cast %get3A_292 : vector<1x256x128xf32> to vector<256x128xf32>
    %get3A_294 = arith.constant 0 : index
    %get3A_295 = arith.constant 15 : index
    %get3A_296 = vector.load %arg2[%get3A_294, %get3A_295] : memref<256x21xi32, #tpu.memory_space<vmem>>, vector<256x1xi32>
    %eq3A_297 = arith.constant 1 : i32
    %eq3A_298 = vector.broadcast %eq3A_297 : i32 to vector<256x1xi32>
    %eq3A_299 = arith.cmpi eq, %get3A_296, %eq3A_298 : vector<256x1xi32>
    %slice3A_300 = vector.extract_strided_slice %get3A_293 {offsets = [0, 64], sizes = [256, 64], strides = [1, 1]} : vector<256x128xf32> to vector<256x64xf32>
    %slice3A_301 = vector.extract_strided_slice %get3A_293 {offsets = [0, 0], sizes = [256, 64], strides = [1, 1]} : vector<256x128xf32> to vector<256x64xf32>
    %broadcast_in_dim3A_302 = vector.shape_cast %eq3A_299 : vector<256x1xi1> to vector<256x1xi1>
    %broadcast_in_dim3A_303 = vector.broadcast %broadcast_in_dim3A_302 : vector<256x1xi1> to vector<256x64xi1>
    %select_n3A_304 = arith.select %broadcast_in_dim3A_303, %slice3A_300, %slice3A_301 : vector<256x64xi1>, vector<256x64xf32>
    %mul3A_305 = arith.mulf %select_n3A, %select_n3A_304 : vector<256x64xf32>
    %reduce_sum3A_306 = arith.constant dense<0.000000e+00> : vector<256xf32>
    %reduce_sum3A_307 = vector.multi_reduction <add>, %mul3A_305, %reduce_sum3A_306 [1] : vector<256x64xf32> to vector<256xf32>
    %broadcast_in_dim3A_308 = vector.shape_cast %reduce_sum3A_307 : vector<256xf32> to vector<256x1xf32>
    %get3A_309 = arith.constant 16 : index
    %get3A_310 = arith.constant 0 : index
    %get3A_311 = arith.constant 0 : index
    %get3A_312 = vector.load %arg1[%get3A_309, %get3A_310, %get3A_311] : memref<21x256x128xf32, #tpu.memory_space<vmem>>, vector<1x256x128xf32>
    %get3A_313 = vector.shape_cast %get3A_312 : vector<1x256x128xf32> to vector<256x128xf32>
    %get3A_314 = arith.constant 0 : index
    %get3A_315 = arith.constant 16 : index
    %get3A_316 = vector.load %arg2[%get3A_314, %get3A_315] : memref<256x21xi32, #tpu.memory_space<vmem>>, vector<256x1xi32>
    %eq3A_317 = arith.constant 1 : i32
    %eq3A_318 = vector.broadcast %eq3A_317 : i32 to vector<256x1xi32>
    %eq3A_319 = arith.cmpi eq, %get3A_316, %eq3A_318 : vector<256x1xi32>
    %slice3A_320 = vector.extract_strided_slice %get3A_313 {offsets = [0, 64], sizes = [256, 64], strides = [1, 1]} : vector<256x128xf32> to vector<256x64xf32>
    %slice3A_321 = vector.extract_strided_slice %get3A_313 {offsets = [0, 0], sizes = [256, 64], strides = [1, 1]} : vector<256x128xf32> to vector<256x64xf32>
    %broadcast_in_dim3A_322 = vector.shape_cast %eq3A_319 : vector<256x1xi1> to vector<256x1xi1>
    %broadcast_in_dim3A_323 = vector.broadcast %broadcast_in_dim3A_322 : vector<256x1xi1> to vector<256x64xi1>
    %select_n3A_324 = arith.select %broadcast_in_dim3A_323, %slice3A_320, %slice3A_321 : vector<256x64xi1>, vector<256x64xf32>
    %mul3A_325 = arith.mulf %select_n3A, %select_n3A_324 : vector<256x64xf32>
    %reduce_sum3A_326 = arith.constant dense<0.000000e+00> : vector<256xf32>
    %reduce_sum3A_327 = vector.multi_reduction <add>, %mul3A_325, %reduce_sum3A_326 [1] : vector<256x64xf32> to vector<256xf32>
    %broadcast_in_dim3A_328 = vector.shape_cast %reduce_sum3A_327 : vector<256xf32> to vector<256x1xf32>
    %get3A_329 = arith.constant 17 : index
    %get3A_330 = arith.constant 0 : index
    %get3A_331 = arith.constant 0 : index
    %get3A_332 = vector.load %arg1[%get3A_329, %get3A_330, %get3A_331] : memref<21x256x128xf32, #tpu.memory_space<vmem>>, vector<1x256x128xf32>
    %get3A_333 = vector.shape_cast %get3A_332 : vector<1x256x128xf32> to vector<256x128xf32>
    %get3A_334 = arith.constant 0 : index
    %get3A_335 = arith.constant 17 : index
    %get3A_336 = vector.load %arg2[%get3A_334, %get3A_335] : memref<256x21xi32, #tpu.memory_space<vmem>>, vector<256x1xi32>
    %eq3A_337 = arith.constant 1 : i32
    %eq3A_338 = vector.broadcast %eq3A_337 : i32 to vector<256x1xi32>
    %eq3A_339 = arith.cmpi eq, %get3A_336, %eq3A_338 : vector<256x1xi32>
    %slice3A_340 = vector.extract_strided_slice %get3A_333 {offsets = [0, 64], sizes = [256, 64], strides = [1, 1]} : vector<256x128xf32> to vector<256x64xf32>
    %slice3A_341 = vector.extract_strided_slice %get3A_333 {offsets = [0, 0], sizes = [256, 64], strides = [1, 1]} : vector<256x128xf32> to vector<256x64xf32>
    %broadcast_in_dim3A_342 = vector.shape_cast %eq3A_339 : vector<256x1xi1> to vector<256x1xi1>
    %broadcast_in_dim3A_343 = vector.broadcast %broadcast_in_dim3A_342 : vector<256x1xi1> to vector<256x64xi1>
    %select_n3A_344 = arith.select %broadcast_in_dim3A_343, %slice3A_340, %slice3A_341 : vector<256x64xi1>, vector<256x64xf32>
    %mul3A_345 = arith.mulf %select_n3A, %select_n3A_344 : vector<256x64xf32>
    %reduce_sum3A_346 = arith.constant dense<0.000000e+00> : vector<256xf32>
    %reduce_sum3A_347 = vector.multi_reduction <add>, %mul3A_345, %reduce_sum3A_346 [1] : vector<256x64xf32> to vector<256xf32>
    %broadcast_in_dim3A_348 = vector.shape_cast %reduce_sum3A_347 : vector<256xf32> to vector<256x1xf32>
    %get3A_349 = arith.constant 18 : index
    %get3A_350 = arith.constant 0 : index
    %get3A_351 = arith.constant 0 : index
    %get3A_352 = vector.load %arg1[%get3A_349, %get3A_350, %get3A_351] : memref<21x256x128xf32, #tpu.memory_space<vmem>>, vector<1x256x128xf32>
    %get3A_353 = vector.shape_cast %get3A_352 : vector<1x256x128xf32> to vector<256x128xf32>
    %get3A_354 = arith.constant 0 : index
    %get3A_355 = arith.constant 18 : index
    %get3A_356 = vector.load %arg2[%get3A_354, %get3A_355] : memref<256x21xi32, #tpu.memory_space<vmem>>, vector<256x1xi32>
    %eq3A_357 = arith.constant 1 : i32
    %eq3A_358 = vector.broadcast %eq3A_357 : i32 to vector<256x1xi32>
    %eq3A_359 = arith.cmpi eq, %get3A_356, %eq3A_358 : vector<256x1xi32>
    %slice3A_360 = vector.extract_strided_slice %get3A_353 {offsets = [0, 64], sizes = [256, 64], strides = [1, 1]} : vector<256x128xf32> to vector<256x64xf32>
    %slice3A_361 = vector.extract_strided_slice %get3A_353 {offsets = [0, 0], sizes = [256, 64], strides = [1, 1]} : vector<256x128xf32> to vector<256x64xf32>
    %broadcast_in_dim3A_362 = vector.shape_cast %eq3A_359 : vector<256x1xi1> to vector<256x1xi1>
    %broadcast_in_dim3A_363 = vector.broadcast %broadcast_in_dim3A_362 : vector<256x1xi1> to vector<256x64xi1>
    %select_n3A_364 = arith.select %broadcast_in_dim3A_363, %slice3A_360, %slice3A_361 : vector<256x64xi1>, vector<256x64xf32>
    %mul3A_365 = arith.mulf %select_n3A, %select_n3A_364 : vector<256x64xf32>
    %reduce_sum3A_366 = arith.constant dense<0.000000e+00> : vector<256xf32>
    %reduce_sum3A_367 = vector.multi_reduction <add>, %mul3A_365, %reduce_sum3A_366 [1] : vector<256x64xf32> to vector<256xf32>
    %broadcast_in_dim3A_368 = vector.shape_cast %reduce_sum3A_367 : vector<256xf32> to vector<256x1xf32>
    %get3A_369 = arith.constant 19 : index
    %get3A_370 = arith.constant 0 : index
    %get3A_371 = arith.constant 0 : index
    %get3A_372 = vector.load %arg1[%get3A_369, %get3A_370, %get3A_371] : memref<21x256x128xf32, #tpu.memory_space<vmem>>, vector<1x256x128xf32>
    %get3A_373 = vector.shape_cast %get3A_372 : vector<1x256x128xf32> to vector<256x128xf32>
    %get3A_374 = arith.constant 0 : index
    %get3A_375 = arith.constant 19 : index
    %get3A_376 = vector.load %arg2[%get3A_374, %get3A_375] : memref<256x21xi32, #tpu.memory_space<vmem>>, vector<256x1xi32>
    %eq3A_377 = arith.constant 1 : i32
    %eq3A_378 = vector.broadcast %eq3A_377 : i32 to vector<256x1xi32>
    %eq3A_379 = arith.cmpi eq, %get3A_376, %eq3A_378 : vector<256x1xi32>
    %slice3A_380 = vector.extract_strided_slice %get3A_373 {offsets = [0, 64], sizes = [256, 64], strides = [1, 1]} : vector<256x128xf32> to vector<256x64xf32>
    %slice3A_381 = vector.extract_strided_slice %get3A_373 {offsets = [0, 0], sizes = [256, 64], strides = [1, 1]} : vector<256x128xf32> to vector<256x64xf32>
    %broadcast_in_dim3A_382 = vector.shape_cast %eq3A_379 : vector<256x1xi1> to vector<256x1xi1>
    %broadcast_in_dim3A_383 = vector.broadcast %broadcast_in_dim3A_382 : vector<256x1xi1> to vector<256x64xi1>
    %select_n3A_384 = arith.select %broadcast_in_dim3A_383, %slice3A_380, %slice3A_381 : vector<256x64xi1>, vector<256x64xf32>
    %mul3A_385 = arith.mulf %select_n3A, %select_n3A_384 : vector<256x64xf32>
    %reduce_sum3A_386 = arith.constant dense<0.000000e+00> : vector<256xf32>
    %reduce_sum3A_387 = vector.multi_reduction <add>, %mul3A_385, %reduce_sum3A_386 [1] : vector<256x64xf32> to vector<256xf32>
    %broadcast_in_dim3A_388 = vector.shape_cast %reduce_sum3A_387 : vector<256xf32> to vector<256x1xf32>
    %get3A_389 = arith.constant 20 : index
    %get3A_390 = arith.constant 0 : index
    %get3A_391 = arith.constant 0 : index
    %get3A_392 = vector.load %arg1[%get3A_389, %get3A_390, %get3A_391] : memref<21x256x128xf32, #tpu.memory_space<vmem>>, vector<1x256x128xf32>
    %get3A_393 = vector.shape_cast %get3A_392 : vector<1x256x128xf32> to vector<256x128xf32>
    %get3A_394 = arith.constant 0 : index
    %get3A_395 = arith.constant 20 : index
    %get3A_396 = vector.load %arg2[%get3A_394, %get3A_395] : memref<256x21xi32, #tpu.memory_space<vmem>>, vector<256x1xi32>
    %eq3A_397 = arith.constant 1 : i32
    %eq3A_398 = vector.broadcast %eq3A_397 : i32 to vector<256x1xi32>
    %eq3A_399 = arith.cmpi eq, %get3A_396, %eq3A_398 : vector<256x1xi32>
    %slice3A_400 = vector.extract_strided_slice %get3A_393 {offsets = [0, 64], sizes = [256, 64], strides = [1, 1]} : vector<256x128xf32> to vector<256x64xf32>
    %slice3A_401 = vector.extract_strided_slice %get3A_393 {offsets = [0, 0], sizes = [256, 64], strides = [1, 1]} : vector<256x128xf32> to vector<256x64xf32>
    %broadcast_in_dim3A_402 = vector.shape_cast %eq3A_399 : vector<256x1xi1> to vector<256x1xi1>
    %broadcast_in_dim3A_403 = vector.broadcast %broadcast_in_dim3A_402 : vector<256x1xi1> to vector<256x64xi1>
    %select_n3A_404 = arith.select %broadcast_in_dim3A_403, %slice3A_400, %slice3A_401 : vector<256x64xi1>, vector<256x64xf32>
    %mul3A_405 = arith.mulf %select_n3A, %select_n3A_404 : vector<256x64xf32>
    %reduce_sum3A_406 = arith.constant dense<0.000000e+00> : vector<256xf32>
    %reduce_sum3A_407 = vector.multi_reduction <add>, %mul3A_405, %reduce_sum3A_406 [1] : vector<256x64xf32> to vector<256xf32>
    %broadcast_in_dim3A_408 = vector.shape_cast %reduce_sum3A_407 : vector<256xf32> to vector<256x1xf32>
    %max3A = arith.maximumf %broadcast_in_dim3A_28, %broadcast_in_dim3A_48 : vector<256x1xf32>
    %max3A_409 = arith.maximumf %max3A, %broadcast_in_dim3A_68 : vector<256x1xf32>
    %max3A_410 = arith.maximumf %max3A_409, %broadcast_in_dim3A_88 : vector<256x1xf32>
    %max3A_411 = arith.maximumf %max3A_410, %broadcast_in_dim3A_108 : vector<256x1xf32>
    %max3A_412 = arith.maximumf %max3A_411, %broadcast_in_dim3A_128 : vector<256x1xf32>
    %max3A_413 = arith.maximumf %max3A_412, %broadcast_in_dim3A_148 : vector<256x1xf32>
    %max3A_414 = arith.maximumf %max3A_413, %broadcast_in_dim3A_168 : vector<256x1xf32>
    %max3A_415 = arith.maximumf %max3A_414, %broadcast_in_dim3A_188 : vector<256x1xf32>
    %max3A_416 = arith.maximumf %max3A_415, %broadcast_in_dim3A_208 : vector<256x1xf32>
    %max3A_417 = arith.maximumf %max3A_416, %broadcast_in_dim3A_228 : vector<256x1xf32>
    %max3A_418 = arith.maximumf %max3A_417, %broadcast_in_dim3A_248 : vector<256x1xf32>
    %max3A_419 = arith.maximumf %max3A_418, %broadcast_in_dim3A_268 : vector<256x1xf32>
    %max3A_420 = arith.maximumf %max3A_419, %broadcast_in_dim3A_288 : vector<256x1xf32>
    %max3A_421 = arith.maximumf %max3A_420, %broadcast_in_dim3A_308 : vector<256x1xf32>
    %max3A_422 = arith.maximumf %max3A_421, %broadcast_in_dim3A_328 : vector<256x1xf32>
    %max3A_423 = arith.maximumf %max3A_422, %broadcast_in_dim3A_348 : vector<256x1xf32>
    %max3A_424 = arith.maximumf %max3A_423, %broadcast_in_dim3A_368 : vector<256x1xf32>
    %max3A_425 = arith.maximumf %max3A_424, %broadcast_in_dim3A_388 : vector<256x1xf32>
    %max3A_426 = arith.maximumf %max3A_425, %broadcast_in_dim3A_408 : vector<256x1xf32>
    %sub3A = arith.subf %broadcast_in_dim3A_28, %max3A_426 : vector<256x1xf32>
    %exp3A = math.exp %sub3A : vector<256x1xf32>
    %sub3A_427 = arith.subf %broadcast_in_dim3A_48, %max3A_426 : vector<256x1xf32>
    %exp3A_428 = math.exp %sub3A_427 : vector<256x1xf32>
    %add3A = arith.addf %exp3A, %exp3A_428 : vector<256x1xf32>
    %sub3A_429 = arith.subf %broadcast_in_dim3A_68, %max3A_426 : vector<256x1xf32>
    %exp3A_430 = math.exp %sub3A_429 : vector<256x1xf32>
    %add3A_431 = arith.addf %add3A, %exp3A_430 : vector<256x1xf32>
    %sub3A_432 = arith.subf %broadcast_in_dim3A_88, %max3A_426 : vector<256x1xf32>
    %exp3A_433 = math.exp %sub3A_432 : vector<256x1xf32>
    %add3A_434 = arith.addf %add3A_431, %exp3A_433 : vector<256x1xf32>
    %sub3A_435 = arith.subf %broadcast_in_dim3A_108, %max3A_426 : vector<256x1xf32>
    %exp3A_436 = math.exp %sub3A_435 : vector<256x1xf32>
    %add3A_437 = arith.addf %add3A_434, %exp3A_436 : vector<256x1xf32>
    %sub3A_438 = arith.subf %broadcast_in_dim3A_128, %max3A_426 : vector<256x1xf32>
    %exp3A_439 = math.exp %sub3A_438 : vector<256x1xf32>
    %add3A_440 = arith.addf %add3A_437, %exp3A_439 : vector<256x1xf32>
    %sub3A_441 = arith.subf %broadcast_in_dim3A_148, %max3A_426 : vector<256x1xf32>
    %exp3A_442 = math.exp %sub3A_441 : vector<256x1xf32>
    %add3A_443 = arith.addf %add3A_440, %exp3A_442 : vector<256x1xf32>
    %sub3A_444 = arith.subf %broadcast_in_dim3A_168, %max3A_426 : vector<256x1xf32>
    %exp3A_445 = math.exp %sub3A_444 : vector<256x1xf32>
    %add3A_446 = arith.addf %add3A_443, %exp3A_445 : vector<256x1xf32>
    %sub3A_447 = arith.subf %broadcast_in_dim3A_188, %max3A_426 : vector<256x1xf32>
    %exp3A_448 = math.exp %sub3A_447 : vector<256x1xf32>
    %add3A_449 = arith.addf %add3A_446, %exp3A_448 : vector<256x1xf32>
    %sub3A_450 = arith.subf %broadcast_in_dim3A_208, %max3A_426 : vector<256x1xf32>
    %exp3A_451 = math.exp %sub3A_450 : vector<256x1xf32>
    %add3A_452 = arith.addf %add3A_449, %exp3A_451 : vector<256x1xf32>
    %sub3A_453 = arith.subf %broadcast_in_dim3A_228, %max3A_426 : vector<256x1xf32>
    %exp3A_454 = math.exp %sub3A_453 : vector<256x1xf32>
    %add3A_455 = arith.addf %add3A_452, %exp3A_454 : vector<256x1xf32>
    %sub3A_456 = arith.subf %broadcast_in_dim3A_248, %max3A_426 : vector<256x1xf32>
    %exp3A_457 = math.exp %sub3A_456 : vector<256x1xf32>
    %add3A_458 = arith.addf %add3A_455, %exp3A_457 : vector<256x1xf32>
    %sub3A_459 = arith.subf %broadcast_in_dim3A_268, %max3A_426 : vector<256x1xf32>
    %exp3A_460 = math.exp %sub3A_459 : vector<256x1xf32>
    %add3A_461 = arith.addf %add3A_458, %exp3A_460 : vector<256x1xf32>
    %sub3A_462 = arith.subf %broadcast_in_dim3A_288, %max3A_426 : vector<256x1xf32>
    %exp3A_463 = math.exp %sub3A_462 : vector<256x1xf32>
    %add3A_464 = arith.addf %add3A_461, %exp3A_463 : vector<256x1xf32>
    %sub3A_465 = arith.subf %broadcast_in_dim3A_308, %max3A_426 : vector<256x1xf32>
    %exp3A_466 = math.exp %sub3A_465 : vector<256x1xf32>
    %add3A_467 = arith.addf %add3A_464, %exp3A_466 : vector<256x1xf32>
    %sub3A_468 = arith.subf %broadcast_in_dim3A_328, %max3A_426 : vector<256x1xf32>
    %exp3A_469 = math.exp %sub3A_468 : vector<256x1xf32>
    %add3A_470 = arith.addf %add3A_467, %exp3A_469 : vector<256x1xf32>
    %sub3A_471 = arith.subf %broadcast_in_dim3A_348, %max3A_426 : vector<256x1xf32>
    %exp3A_472 = math.exp %sub3A_471 : vector<256x1xf32>
    %add3A_473 = arith.addf %add3A_470, %exp3A_472 : vector<256x1xf32>
    %sub3A_474 = arith.subf %broadcast_in_dim3A_368, %max3A_426 : vector<256x1xf32>
    %exp3A_475 = math.exp %sub3A_474 : vector<256x1xf32>
    %add3A_476 = arith.addf %add3A_473, %exp3A_475 : vector<256x1xf32>
    %sub3A_477 = arith.subf %broadcast_in_dim3A_388, %max3A_426 : vector<256x1xf32>
    %exp3A_478 = math.exp %sub3A_477 : vector<256x1xf32>
    %add3A_479 = arith.addf %add3A_476, %exp3A_478 : vector<256x1xf32>
    %sub3A_480 = arith.subf %broadcast_in_dim3A_408, %max3A_426 : vector<256x1xf32>
    %exp3A_481 = math.exp %sub3A_480 : vector<256x1xf32>
    %add3A_482 = arith.addf %add3A_479, %exp3A_481 : vector<256x1xf32>
    %log3A = math.log %add3A_482 : vector<256x1xf32>
    %add3A_483 = arith.addf %max3A_426, %log3A : vector<256x1xf32>
    %sub3A_484 = arith.subf %add3A_483, %broadcast_in_dim3A_48 : vector<256x1xf32>
    %eq3A_485 = arith.constant 0 : i32
    %eq3A_486 = arith.cmpi eq, %arg0, %eq3A_485 : i32
    %convert_element_type3A = arith.extui %eq3A_486 : i1 to i32
    %cond3A = arith.constant 0 : i32
    %cond3A_487 = arith.cmpi ne, %convert_element_type3A, %cond3A : i32
    scf.if %cond3A_487 {
      %swap3A_501 = arith.constant 0.000000e+00 : f32
      %swap3A_502 = arith.constant 0 : index
      %swap3A_503 = arith.constant 0 : index
      %swap3A_504 = memref.load %arg3[%swap3A_502, %swap3A_503] : memref<1x1xf32, #tpu.memory_space<smem>>
      memref.store %swap3A_501, %arg3[%swap3A_502, %swap3A_503] : memref<1x1xf32, #tpu.memory_space<smem>>
    } else {
    }
    %get3A_488 = arith.constant 0 : index
    %get3A_489 = arith.constant 0 : index
    %get3A_490 = memref.load %arg3[%get3A_488, %get3A_489] : memref<1x1xf32, #tpu.memory_space<smem>>
    %reduce_sum3A_491 = vector.shape_cast %sub3A_484 : vector<256x1xf32> to vector<1x256x1xf32>
    %reduce_sum3A_492 = arith.constant dense<0.000000e+00> : vector<1xf32>
    %reduce_sum3A_493 = vector.multi_reduction <add>, %reduce_sum3A_491, %reduce_sum3A_492 [1, 2] : vector<1x256x1xf32> to vector<1xf32>
    %reduce_sum3A_494 = vector.shape_cast %reduce_sum3A_493 : vector<1xf32> to vector<1x1x1xf32>
    %reduce_sum3A_495 = vector.extract %reduce_sum3A_494[0, 0, 0] : f32 from vector<1x1x1xf32>
    %mul3A_496 = arith.constant 6.10351563E-5 : f32
    %mul3A_497 = arith.mulf %reduce_sum3A_495, %mul3A_496 : f32
    %add3A_498 = arith.addf %get3A_490, %mul3A_497 : f32
    %swap3A = arith.constant 0 : index
    %swap3A_499 = arith.constant 0 : index
    %swap3A_500 = memref.load %arg3[%swap3A, %swap3A_499] : memref<1x1xf32, #tpu.memory_space<smem>>
    memref.store %add3A_498, %arg3[%swap3A, %swap3A_499] : memref<1x1xf32, #tpu.memory_space<smem>>
    return
  }
  func.func @transform_0(%arg0: i32) -> (i32, i32, i32) {
    %c0_i32 = arith.constant 0 : i32
    %c0_i32_0 = arith.constant 0 : i32
    %c0_i32_1 = arith.constant 0 : i32
    return %c0_i32, %arg0, %c0_i32_0 : i32, i32, i32
  }
  func.func @transform_1(%arg0: i32) -> (i32, i32) {
    %c0_i32 = arith.constant 0 : i32
    %c0_i32_0 = arith.constant 0 : i32
    return %arg0, %c0_i32 : i32, i32
  }
  func.func @transform_2(%arg0: i32) -> (i32, i32) {
    %c0_i32 = arith.constant 0 : i32
    %c0_i32_0 = arith.constant 0 : i32
    %c0_i32_1 = arith.constant 0 : i32
    return %c0_i32, %c0_i32_0 : i32, i32
  }
}

</mosaic_0001>

<sc_bundles>
// kernel: kernel.5.cloned.1.call-start
scs
__scs_entry_jumppad:
0x0: {  	(pc) =	sbr.rel $0x88, $3  }
0x1: {  	(tag) =	ssettag $0x0;
	lr =	simm.s32 $0x1  }
0x2: {  	[smem:$0x3F9D] =	sst lr;
	_ =	strace $0xD0000000  }
0x3: {  	_ = 	snop  }
0x4: {  	_ = 	snop  }
0x5: {  	_ = 	snop  }
0x6: {  	_ = 	snop  }
0x7: {  	_ = 	snop  }
__scs_overlays_trampoline_lowered:
0x8: {  	[smem:$0x3FAC] =	sst s0  }
0x9: {  	[smem:$0x3FAD] =	sst s1  }
0xa: {  	[smem:$0x3FAE] =	sst s2  }
0xb: {  	[smem:$0x3FAF] =	sst s3  }
0xc: {  	[smem:$0x3FB0] =	sst s4  }
0xd: {  	[smem:$0x3FB1] =	sst s5  }
0xe: {  	[smem:$0x3FB2] =	sst s6  }
0xf: {  	[smem:$0x3FB3] =	sst s7  }
0x10: {  	[smem:$0x3FB4] =	sst s8  }
0x11: {  	[smem:$0x3FB5] =	sst s9;
	s0 =	simm.s32 @!p0 $0x0  }
0x12: {  	s1 =	sld [smem:$0x3F9B];
	s0 =	simm.s32 @p0 $0x1  }
0x13: {  	[smem:$0x3FB6] =	sst s0;
	s0 =	simm.s32 @!p1 $0x0  }
0x14: {  	s2 =	sld [smem:$0x3F9A];
	s0 =	simm.s32 @p1 $0x1  }
0x15: {  	[smem:$0x3FB7] =	sst s0;
	s0 =	simm.s32 @!p2 $0x0  }
0x16: {  	s3 =	sld [smem:$0x3FDB];
	s0 =	simm.s32 @p2 $0x1  }
0x17: {  	s4 =	simm.s32 $0x1BF5;
	[smem:$0x3FB9] =	sst s0  }
0x18: {  	s0 =	sld [smem:$0x3F9C];
	_ =	swait.ge [sflag:s4], $0x0  }
0x19: {  	s7 =	sld [smem:$0x3F9D]  }
0x1a: {  	s8 =	sadd.s32 $0xFFFFE003, lr  }
0x1b: {  	s9 =	sadd.s32 $0xFFFFFEF7, lr;
	s5 =	simm.s32 $0xFFFFFFFF;
	p2 =	slt.u32 s8, $0xFFFFF086  }
0x1c: {  	p1 =	slt.u32 s9, $0xF7A;
	s5 =	simm.s32 @!p2 $0x0  }
0x1d: {  	s5 =	simm.s32 @p1 $0x1;
	p0 =	seq.s32 s7, s2  }
0x1e: {  	s7 =	smul.u32 @!p0 $0xF7A, s2;
	p2 =	seq.s32 @!p0 s5, $0x0  }
0x1f: {  	s9 =	smul.u32 $0xF7A, s1;
	s8 =	simm.s32 @!p0 $0x1BF5;
	p2 =	por !p2, p0  }
0x20: {  	[sflag:s8] =	ssyncset.s32 @!p0 $0xFFFFF086;
	s6 =	sadd.s32 @!p0 s3, s7;
	s7 =	simm.s32 @!p0 $0x108  }
0x21: {  	s3 =	sadd.s32 s3, s9;
	s6 =	sadd.s32 @!p0 $0x88, s6;
	s7 =	simm.s32 @p2 $0x1082  }
0x22: {  	[simem:s7], [sflag:s8] =	dma.local @!p0 [hbm:s6], $0xF7A  }
0x23: {  	s9 =	sor.u32 $0xD0000000, s2;
	s6 =	simm.s32 $0x108;
	_ =	swait.ge @!p0 [sflag:s8], $0x0  }
0x24: {  	s3 =	sadd.s32 $0x88, s3;
	s6 =	simm.s32 @!p1 $0x1082;
	[sflag:s4] =	ssyncset.s32 $0xFFFFF086  }
0x25: {  	[simem:s6], [sflag:s4] =	dma.local [hbm:s3], $0xF7A  }
0x26: {  	[smem:$0x3F9D] =	sst s1;
	(tag) =	ssettag s2;
	_ =	strace s9  }
0x27: {  	s1 =	sld [smem:$0x3FAD]  }
0x28: {  	s2 =	sld [smem:$0x3FAE]  }
0x29: {  	s4 =	sld [smem:$0x3FB0]  }
0x2a: {  	p0 =	seq.s32 s5, $0x0;
	s5 =	sld [smem:$0x3FB1]  }
0x2b: {  	s6 =	sld [smem:$0x3FB2]  }
0x2c: {  	s7 =	sld [smem:$0x3FB3]  }
0x2d: {  	s3 =	simm.s32 $0x108;
	s8 =	sld [smem:$0x3FB4]  }
0x2e: {  	s3 =	simm.s32 @!p0 $0x1082;
	s9 =	sld [smem:$0x3FB5]  }
0x2f: {  	lr =	sadd.s32 s0, s3;
	s0 =	sld [smem:$0x3FAC]  }
0x30: {  	s3 =	sld [smem:$0x3FAF]  }
0x31: {  	[smem:$0x3FB8] =	sst s10  }
0x32: {  	s10 =	sld [smem:$0x3FB6];
	_ =	sdelay $0x3  }
0x33: {  	p0 =	seq.s32 s10, $0x1;
	s10 =	sld [smem:$0x3FB8];
	_ =	sdelay $0x3  }
0x34: {  	[smem:$0x3FB8] =	sst s10  }
0x35: {  	s10 =	sld [smem:$0x3FB7];
	_ =	sdelay $0x3  }
0x36: {  	p1 =	seq.s32 s10, $0x1;
	s10 =	sld [smem:$0x3FB8];
	_ =	sdelay $0x3  }
0x37: {  	[smem:$0x3FB8] =	sst s10  }
0x38: {  	s10 =	sld [smem:$0x3FB9]  }
0x39: {  	_ = 	snop;
	(pc) =	sbr.ind lr, $3  }
0x3a: {  	_ = 	snop  }
0x3b: {  	_ = 	snop  }
0x3c: {  	p2 =	seq.s32 s10, $0x1;
	s10 =	sld [smem:$0x3FB8]  }
0x3d: {  	_ =	shalt  }
0x3e: {  	_ =	shalt  }
0x3f: {  	_ =	shalt  }
0x40: {  	_ =	shalt  }
0x41: {  	_ =	shalt  }
0x42: {  	_ =	shalt  }
0x43: {  	_ =	shalt  }
0x44: {  	_ =	shalt  }
0x45: {  	_ =	shalt  }
0x46: {  	_ =	shalt  }
0x47: {  	_ =	shalt  }
0x48: {  	_ =	shalt  }
0x49: {  	_ =	shalt  }
0x4a: {  	_ =	shalt  }
0x4b: {  	_ =	shalt  }
0x4c: {  	_ =	shalt  }
0x4d: {  	_ =	shalt  }
0x4e: {  	_ =	shalt  }
0x4f: {  	_ =	shalt  }
0x50: {  	_ =	shalt  }
0x51: {  	_ =	shalt  }
0x52: {  	_ =	shalt  }
0x53: {  	_ =	shalt  }
0x54: {  	_ =	shalt  }
0x55: {  	_ =	shalt  }
0x56: {  	_ =	shalt  }
0x57: {  	_ =	shalt  }
0x58: {  	_ =	shalt  }
0x59: {  	_ =	shalt  }
0x5a: {  	_ =	shalt  }
0x5b: {  	_ =	shalt  }
0x5c: {  	_ =	shalt  }
0x5d: {  	_ =	shalt  }
0x5e: {  	_ =	shalt  }
0x5f: {  	_ =	shalt  }
0x60: {  	_ =	shalt  }
0x61: {  	_ =	shalt  }
0x62: {  	_ =	shalt  }
0x63: {  	_ =	shalt  }
0x64: {  	_ =	shalt  }
0x65: {  	_ =	shalt  }
0x66: {  	_ =	shalt  }
0x67: {  	_ =	shalt  }
0x68: {  	_ =	shalt  }
0x69: {  	_ =	shalt  }
0x6a: {  	_ =	shalt  }
0x6b: {  	_ =	shalt  }
0x6c: {  	_ =	shalt  }
0x6d: {  	_ =	shalt  }
0x6e: {  	_ =	shalt  }
0x6f: {  	_ =	shalt  }
0x70: {  	_ =	shalt  }
0x71: {  	_ =	shalt  }
0x72: {  	_ =	shalt  }
0x73: {  	_ =	shalt  }
0x74: {  	_ =	shalt  }
0x75: {  	_ =	shalt  }
0x76: {  	_ =	shalt  }
0x77: {  	_ =	shalt  }
0x78: {  	_ =	shalt  }
0x79: {  	_ =	shalt  }
0x7a: {  	_ =	shalt  }
0x7b: {  	_ =	shalt  }
0x7c: {  	_ =	shalt  }
0x7d: {  	_ =	shalt  }
0x7e: {  	_ =	shalt  }
0x7f: {  	_ =	shalt  }
0x80: {  	_ =	shalt  }
0x81: {  	_ =	shalt  }
0x82: {  	_ =	shalt  }
0x83: {  	_ =	shalt  }
0x84: {  	_ =	shalt  }
0x85: {  	_ =	shalt  }
0x86: {  	_ =	shalt  }
0x87: {  	_ =	shalt  }
.Lfunc_end0:
.L_simem_size_0:
called_computation_lowered:
.L_overlay_start_0:
0x88: {  	s2 =	sld [smem:$0x3FD9]  }
0x89: {  	s3 =	sld [smem:$0x3FFE];
	_ =	sdelay $0x1  }
0x8a: {  	s1 =	srdreg.scid  }
0x8b: {  	s0 =	sand.u32 $0x1, s1  }
0x8c: {  	s16 =	sshll.u32 s0, $0xA;
	s2 =	sadd.s32 s3, s2  }
0x8d: {  	s2 =	sadd.s32 s2, s16  }
0x8e: {  	[smem:$0x3FC4] =	sst s2  }
0x8f: {  	_ = 	snop  }
0x90: {  	(tm) =	ssettm $0x1  }
0x91: {  	s17 =	sld [smem:$0x3FFB];
	_ =	sdelay $0x3  }
0x92: {  	_ =	strace s17  }
0x93: {  	s2 =	sld [smem:$0x3FFC];
	_ =	sdelay $0x3  }
0x94: {  	_ =	strace s2  }
0x95: {  	s2 =	sld [smem:$0x3FFD];
	_ =	sdelay $0x3  }
0x96: {  	_ =	strace s2  }
0x97: {  	_ =	strace $0x8FFFFFFF  }
0x98: {  	s18 =	sld [smem:$0x3FDB];
	_ =	sdelay $0x1  }
0x99: {  	s19 =	simm.s32 $_scs_section_size  }
0x9a: {  	s4 =	simm.s32 $_size__tile_overlayer_lowered;
	s5 =	simm.s32 $_tile_overlayer_lowered  }
0x9b: {  	s22 =	simm.s32 $0x1BFF;
	s21 =	sshll.u32 s5, $0x1;
	s2 =	sadd.s32 s19, s18  }
0x9c: {  	s6 =	simm.s32 $0x0;
	s20 =	sshll.u32 s4, $0x1;
	s4 =	sadd.s32 s21, s2  }
0x9d: {  	[timem:s6], [sflag:s22] =	dma.local [hbm:s4], s20  }
0x9e: {  	_ =	swait.ge [sflag:s22], s20  }
0x9f: {  	s3 =	ssub.s32 $0x0, s20;
	[sflag:s22] =	ssyncset.done $0x0  }
0xa0: {  	[sflag:s22] =	ssyncadd.s32 s3;
	_ =	sdelay $0x1  }
0xa1: {  	s23 =	simm.s32 $0x1B8B  }
0xa2: {  	_ =	swait.ge [sflag:s23], $0x1  }
0xa3: {  	[sflag:s23] =	ssyncset.done $0x0  }
0xa4: {  	s25 =	simm.s32 $0x1B8E;
	s24 =	sld [smem:$0x3FFE];
	[sflag:s23] =	ssyncadd.s32 $0xFFFFFFFF  }
0xa5: {  	s26 =	simm.s32 $execute0_lowered;
	[smem:$0x3FD2] =	sst s25  }
0xa6: {  	s4 =	sshll.u32 s26, $0x1;
	_ =	strace $0x80000046;
	[dreg:$0x1] =	wrdreg $0xFFFFFFFF  }
0xa7: {  	s28 =	simm.s32 $_size_execute0_lowered;
	s2 =	sadd.s32 s2, s4;
	[dreg:$0x0] =	wrdreg $0x0  }
0xa8: {  	s4 =	sshll.u32 s28, $0x1;
	[dreg:$0x2] =	wrdreg s2  }
0xa9: {  	[dreg:$0x3] =	wrdreg s4  }
0xaa: {  	[dreg:$0x4] =	wrdreg $0xC0  }
0xab: {  	_ =	task [dreg:s6], $0x5FFFF  }
0xac: {  	[dreg:$0x1] =	wrdreg $0xFFFFFFFF  }
0xad: {  	[dreg:$0x0] =	wrdreg $0x60  }
0xae: {  	[dreg:$0x2] =	wrdreg s24  }
0xaf: {  	[dreg:$0x3] =	wrdreg $0x9  }
0xb0: {  	_ =	task.clear_ibuf [dreg:s6], $0x4FFFF;
	_ =	strace $0x90000046  }
0xb1: {  	s29 =	simm.s32 $0x9;
	_ =	strace $0x80000048  }
0xb2: {  	_ =	swait.ge [sflag:s29], $0x1  }
0xb3: {  	[sflag:s29] =	ssyncadd.s32 $0xFFFFFFFF  }
0xb4: {  	_ =	strace $0x90000048  }
0xb5: {  	_ =	sfence  }
0xb6: {  	s30 =	sld [smem:$0x0];
	_ =	sdelay $0x2  }
0xb7: {  	s31 =	sshll.u32 s1, $0xD;
	s1 =	sshrl.u32 s1, $0x2  }
0xb8: {  	s3 =	sand.u32 $0x4000, s31;
	s1 =	sadd.s32 s1, s30  }
0xb9: {  	s0 =	sor.u32 s3, s0;
	s1 =	sshll.u32 s1, $0x11  }
0xba: {  	s0 =	sor.u32 s1, s0  }
0xbb: {  	s0 =	sadd.s32 $0x8F2B, s0  }
0xbc: {  	[sflag:s0] =	ssyncadd.remote.s32 $0x1  }
0xbd: {  	_ =	sfence.sel $0xFFFF  }
0xbe: {  	[dreg:$0x0] =	wrdreg $0xFFFFFFFF;
	(pc) =	sbr.abs _section_cstart, $3  }
0xbf: {  	[dreg:$0x1] =	wrdreg $0xFFFFFFFF  }
0xc0: {  	_ =	task.clear_ibuf [dreg:s6], $0x2FFFF;
	_ =	strace $0x9FFFFFFF  }
0xc1: {  	(tm) =	ssettm $0x7FFFFFFF  }
tec
execute0_lowered:
.L_overlay_start_1:
0x0: {  	(tag) =	ssettag $0x1  }
0x1: {  	s5 =	rddreg [dreg:$0x0]  }
0x2: {  	s0 =	rddreg [dreg:$0x1];
	s1 =	simm.s32 $0x0;
	s4 =	srdreg.scid  }
0x3: {  	s2 =	stileid.u32;
	s14 =	simm.s32 $0x1;
	s15 =	simm.s32 $0x0  }
0x4: {  	[smem:$0x7FF] =	sst s1;
	s11 =	sadd.s32 $0xB200, s5;
	s3 =	sadd.s32 $0x15A00, s5  }
0x5: {  	s6 =	sand.u32 $0x1, s4;
	s4 =	sadd.s32 $0x7B7A00, s5;
	s10 =	sadd.s32 $0xF59A00, s5  }
0x6: {  	s8 =	sshll.u32 s2, $0x1;
	s9 =	smul.u32 $0x5000, s2;
	_ =	strace $0x80000047  }
0x7: {  	s7 =	ssub.s32 $0x2, s6;
	s8 =	sor.u32 s6, s8;
	s13 =	smul.u32 $0x2800, s6  }
0x8: {  	s26 =	sshrl.u32 s7, $0x1;
	s28 =	sshll.u32 s8, $0x9;
	s12 =	sshll.u32 s8, $0x6  }
0x9: {  	s8 =	sshll.u32 s8, $0xD;
	s5 =	ssub.s32 s7, s26;
	s6 =	sadd.s32 s11, s12  }
0xa: {  	s29 =	sor.u32 $0x100, s28;
	s7 =	sadd.s32 s10, s8;
	s9 =	sadd.s32 s13, s9  }
0xb: {  	s5 =	smax.u32 s5, $0x1;
	s30 =	sshrl.u32 s29, $0x3;
	s12 =	sshll.u32 s29, $0x4  }
0xc: {  	s13 =	sadd.s32 $0x4000, s9;
	s8 =	sadd.s32 s11, s30;
	s9 =	sadd.s32 s10, s12  }
0xd: {  	s31 =	sshll.u32 s13, $0x4;
	s13 =	sshrl.u32 s13, $0x3;
	s12 =	simm.s32 $0x2  }
0xe: {  	s10 =	sadd.s32 s31, s10;
	s11 =	sadd.s32 s13, s11;
	s13 =	simm.s32 $0x100  }
.LBB2_1:
0xf: {  	[tilespmem:s1], [sflag:$0x2] =	stream.linear.gather [hbm4b:s6+s1], $0x100, $0x38;
	[tilespmem:$0x8100] =	vst v63  }
0x10: {  	_ =	swait.ge [sflag:s12], $0x100  }
0x11: {  	[sflag:s12] =	ssyncset.done $0x0  }
0x12: {  	[sflag:s12] =	ssyncadd.s32 $0xFFFFFF00  }
0x13: {  	[tilespmem:s13], [sflag:$0x1] =	stream.indirect.gather [hbm4b:s3+s13], $0x80, s1, s13, $0xb8;
	[tilespmem:$0x8100] =	vst v63  }
0x14: {  	_ =	swait.ge [sflag:s14], $0x8000  }
0x15: {  	[sflag:s14] =	ssyncset.done $0x0  }
0x16: {  	[sflag:s14] =	ssyncadd.s32 $0xFFFF8000  }
0x17: {  	[hbm4b:s7+s1] =	stream.linear.scatter [tilespmem:s13], [sflag:$0x2], $0x8000, $0x38;
	[tilespmem:$0x8100] =	vst v63  }
0x18: {  	_ =	swait.ge [sflag:s12], $0x8000  }
0x19: {  	[sflag:s12] =	ssyncset.done $0x0  }
0x1a: {  	[sflag:s12] =	ssyncadd.s32 $0xFFFF8000  }
0x1b: {  	[tilespmem:s1], [sflag:$0x2] =	stream.linear.gather [hbm4b:s8+s1], $0x100, $0x38;
	[tilespmem:$0x8100] =	vst v63  }
0x1c: {  	_ =	swait.ge [sflag:s12], $0x100  }
0x1d: {  	[sflag:s12] =	ssyncset.done $0x0  }
0x1e: {  	[sflag:s12] =	ssyncadd.s32 $0xFFFFFF00  }
0x1f: {  	[tilespmem:s13], [sflag:$0x1] =	stream.indirect.gather [hbm4b:s3+s13], $0x80, s1, s13, $0xb8;
	[tilespmem:$0x8100] =	vst v63  }
0x20: {  	_ =	swait.ge [sflag:s14], $0x8000  }
0x21: {  	[sflag:s14] =	ssyncset.done $0x0  }
0x22: {  	[sflag:s14] =	ssyncadd.s32 $0xFFFF8000  }
0x23: {  	[hbm4b:s9+s1] =	stream.linear.scatter [tilespmem:s13], [sflag:$0x2], $0x8000, $0x38;
	[tilespmem:$0x8100] =	vst v63  }
0x24: {  	_ =	swait.ge [sflag:s12], $0x8000  }
0x25: {  	[sflag:s12] =	ssyncset.done $0x0  }
0x26: {  	s16 =	sadd.s32 $0x0, s11;
	[sflag:s12] =	ssyncadd.s32 $0xFFFF8000  }
0x27: {  	[tilespmem:s1], [sflag:$0x2] =	stream.linear.gather [hbm4b:s16+s1], $0x100, $0x38;
	[tilespmem:$0x8100] =	vst v63  }
0x28: {  	_ =	swait.ge [sflag:s12], $0x100  }
0x29: {  	[sflag:s12] =	ssyncset.done $0x0  }
0x2a: {  	[sflag:s12] =	ssyncadd.s32 $0xFFFFFF00  }
0x2b: {  	[tilespmem:s13], [sflag:$0x1] =	stream.indirect.gather [hbm4b:s4+s13], $0x80, s1, s13, $0xb8;
	[tilespmem:$0x8100] =	vst v63  }
0x2c: {  	_ =	swait.ge [sflag:s14], $0x8000  }
0x2d: {  	[sflag:s14] =	ssyncset.done $0x0  }
0x2e: {  	[sflag:s14] =	ssyncadd.s32 $0xFFFF8000  }
0x2f: {  	[hbm4b:s10+s1] =	stream.linear.scatter [tilespmem:s13], [sflag:$0x2], $0x8000, $0x38;
	[tilespmem:$0x8100] =	vst v63  }
0x30: {  	s17 =	simm.s32 $0x20;
	_ =	swait.ge [sflag:s12], $0x8000  }
0x31: {  	s18 =	simm.s32 $0x40;
	s16 =	sadd.s32 $0x1000, s10;
	[sflag:s12] =	ssyncset.done $0x0  }
.LBB2_2:
0x32: {  	s19 =	sadd.s32 s17, s11  }
0x33: {  	[sflag:s12] =	ssyncadd.s32 $0xFFFF8000;
	s17 =	smov.u32 s18;
	s20 =	sadd.s32 $0x20, s18  }
0x34: {  	[tilespmem:s1], [sflag:$0x2] =	stream.linear.gather [hbm4b:s19+s1], $0x100, $0x38;
	[tilespmem:$0x8100] =	vst v63  }
0x35: {  	p0 =	sne.s32 s18, $0x4E0;
	_ =	swait.ge [sflag:s12], $0x100  }
0x36: {  	[sflag:s12] =	ssyncset.done $0x0  }
0x37: {  	[sflag:s12] =	ssyncadd.s32 $0xFFFFFF00  }
0x38: {  	[tilespmem:s13], [sflag:$0x1] =	stream.indirect.gather [hbm4b:s4+s13], $0x80, s1, s13, $0xb8;
	[tilespmem:$0x8100] =	vst v63  }
0x39: {  	_ =	swait.ge [sflag:s14], $0x8000  }
.Ltmp0:
0x3a: {  	[sflag:s14] =	ssyncset.done $0x0;
	(pc) =	sbr.rel @p0 .LBB2_2-.Ltmp0, $4  }
0x3b: {  	[sflag:s14] =	ssyncadd.s32 $0xFFFF8000  }
0x3c: {  	[hbm4b:s16+s1] =	stream.linear.scatter [tilespmem:s13], [sflag:$0x2], $0x8000, $0x38;
	[tilespmem:$0x8100] =	vst v63  }
0x3d: {  	_ =	swait.ge [sflag:s12], $0x8000  }
0x3e: {  	s18 =	smov.u32 s20;
	s16 =	sadd.s32 $0x1000, s16;
	[sflag:s12] =	ssyncset.done $0x0  }
0x3f: {  	s17 =	sadd.s32 s17, s11;
	[sflag:s12] =	ssyncadd.s32 $0xFFFF8000  }
0x40: {  	[tilespmem:s1], [sflag:$0x2] =	stream.linear.gather [hbm4b:s17+s1], $0x100, $0x38;
	[tilespmem:$0x8100] =	vst v63  }
0x41: {  	_ =	swait.ge [sflag:s12], $0x100  }
0x42: {  	[sflag:s12] =	ssyncset.done $0x0  }
0x43: {  	[sflag:s12] =	ssyncadd.s32 $0xFFFFFF00  }
0x44: {  	[tilespmem:s13], [sflag:$0x1] =	stream.indirect.gather [hbm4b:s4+s13], $0x80, s1, s13, $0xb8;
	[tilespmem:$0x8100] =	vst v63  }
0x45: {  	s15 =	sadd.s32 $0x1, s15;
	_ =	swait.ge [sflag:s14], $0x8000  }
0x46: {  	p0 =	sne.s32 s15, s5;
	[sflag:s14] =	ssyncset.done $0x0  }
.Ltmp1:
0x47: {  	[sflag:s14] =	ssyncadd.s32 $0xFFFF8000;
	(pc) =	sbr.rel @p0 .LBB2_1-.Ltmp1, $4  }
0x48: {  	[hbm4b:s16+s1] =	stream.linear.scatter [tilespmem:s13], [sflag:$0x2], $0x8000, $0x38;
	[tilespmem:$0x8100] =	vst v63  }
0x49: {  	_ =	swait.ge [sflag:s12], $0x8000  }
0x4a: {  	[sflag:s12] =	ssyncset.done $0x0  }
0x4b: {  	[sflag:s12] =	ssyncadd.s32 $0xFFFF8000  }
0x4c: {  	_ =	sfence.sel $0x180000  }
0x4d: {  	[bflag:$0x0] =	sbarrier.arrive $0xFFFF  }
0x4e: {  	p0 =	sne.s32 s2, $0x0;
	_ =	strace $0x90000047  }
0x4f: {  	s0 =	sadd.s32 @!p0 $0x100000, s0;
	[bflag:$0x2] =	sbarrier.arrive $0xFFFF  }
0x50: {  	[sflag:s0] =	ssyncadd.tile.s32 @!p0 $0x1;
	_ =	shalt  }
.Lfunc_end2:
_tile_overlayer_lowered:
.L_overlay_start_2:
0x51: {  	(tag) =	ssettag $0x2  }
0x52: {  	s0 =	rddreg [dreg:$0x0];
	s2 =	stileid.u32  }
0x53: {  	s1 =	rddreg [dreg:$0x1];
	p0 =	sne.s32 s2, $0x0  }
0x54: {  	s3 =	rddreg [dreg:$0x2];
	[bflag:$0x3] =	sbarrier.arrive $0xFFFF;
	s2 =	simm.s32 @!p0 $0x1C02  }
0x55: {  	[timem:s3], [sflag:s2] =	dma.local @!p0 [hbm:s0], s1  }
0x56: {  	s0 =	simm.s32 @!p0 $0x2  }
0x57: {  	_ =	swait.ge @!p0 [sflag:s0], s1  }
0x58: {  	s1 =	ssub.s32 @!p0 $0x0, s1;
	[sflag:s0] =	ssyncset.done @!p0 $0x0  }
0x59: {  	[sflag:s0] =	ssyncadd.s32 @!p0 s1  }
0x5a: {  	[bflag:$0x3] =	sbarrier.arrive $0xFFFF  }
0x5b: {  	_ =	shalt  }

</sc_bundles>
